<compile_context>
chip_gen: v7x
topology: tpu7x:2x2x1
jax: 0.10.2.dev20260603
libtpu: 0.0.44.dev20260713+nightly
codegen_flags: <defaults>
</compile_context>

<pallas_src>
import functools

import jax
import jax.numpy as jnp
from jax import lax
from jax.experimental import pallas as pl
from jax.experimental.pallas import tpu as pltpu
from jax.experimental.pallas import tpu_sc as plsc

H, W = 384, 512
FX, FY = 518.8579, 519.4696
HW = H * W
NUM = 100000
PADN = 100096
NROWS = PADN // 128
NS = 15000
NS_PAD = 16384
PER_TILE = NS_PAD // 32
K_DROP = 15000
N_KEEP = 4 * NS - K_DROP
NTILES = 32


def _sample_position_consts():
    skey = jax.random.key(42)
    sk1, sk2, sk3 = jax.random.split(skey, 3)
    ps = [jnp.pad(jax.random.randint(sk, (NS,), 0, NUM), (0, NS_PAD - NS))
          for sk in (sk1, sk2, sk3)]
    rows = []
    for g in range(2):
        for k in range(3):
            rows.append(ps[k] + g * PADN)
    pidx = jnp.stack(rows).astype(jnp.int32)
    return (pidx.reshape(6, NTILES, PER_TILE)
            .transpose(1, 0, 2).reshape(NTILES, 6 * PER_TILE))


def _prepack_body(idx_ref, out_ref):
    for g in range(2):
        y = idx_ref[2 * g]
        x = idx_ref[2 * g + 1]
        out_ref[g] = y * W + x + g * HW


def _prepack(idx4):
    return pl.pallas_call(
        _prepack_body,
        out_shape=jax.ShapeDtypeStruct((2, NROWS, 128), jnp.int32),
    )(idx4)


def _sc_gather(depth_flat, packed, pidx):
    mesh = plsc.VectorSubcoreMesh(
        core_axis_name="c", subcore_axis_name="s", num_cores=2, num_subcores=16
    )
    half = 3 * PER_TILE

    @functools.partial(
        pl.kernel,
        out_type=(
            jax.ShapeDtypeStruct((NTILES, 24 * PER_TILE), jnp.float32),
            jax.ShapeDtypeStruct((NTILES, 6 * PER_TILE), jnp.int32),
        ),
        mesh=mesh,
        compiler_params=pltpu.CompilerParams(use_tc_tiling_on_sc=False),
        scratch_types=[
            pltpu.VMEM((6 * PER_TILE,), jnp.int32),
            pltpu.VMEM((6 * PER_TILE,), jnp.int32),
            pltpu.VMEM((24 * PER_TILE,), jnp.int32),
            pltpu.VMEM((24 * PER_TILE,), jnp.float32),
            pltpu.VMEM_SHARED((8 * HW,), jnp.float32),
            pltpu.SemaphoreType.DMA,
            pltpu.SemaphoreType.DMA,
            pltpu.SemaphoreType.DMA,
            pltpu.SemaphoreType.DMA,
        ],
    )
    def sc_kernel(depth_hbm, packed_hbm, pidx_hbm, d_out, pk_out,
                  pidx_v, pk_v, addr_v, d_v, depth_sh,
                  sem_a0, sem_a1, sem_b, sem_y):
        wid = lax.axis_index("s") * 2 + lax.axis_index("c")
        sid = lax.axis_index("s")
        dsl = 8 * HW // 16
        pltpu.sync_copy(depth_hbm.at[pl.ds(sid * dsl, dsl)],
                        depth_sh.at[pl.ds(sid * dsl, dsl)])
        pltpu.sync_copy(pidx_hbm.at[wid], pidx_v)
        cp_a = [
            pltpu.async_copy(packed_hbm.at[pidx_v.at[pl.ds(g * half, half)]],
                             pk_v.at[pl.ds(g * half, half)],
                             sem_a0 if g == 0 else sem_a1)
            for g in range(2)
        ]
        plsc.subcore_barrier()

        def addr_body(g, j):
            for k in range(3):
                pk = pk_v[pl.ds((g * 3 + k) * PER_TILE + j * 16, 16)]
                for b in range(4):
                    addr_v[pl.ds(((g * 4 + b) * 3 + k) * PER_TILE
                                 + j * 16, 16)] = pk + (g * 3 + b) * HW

        cp_b = []
        for g in range(2):
            cp_a[g].wait()
            lax.fori_loop(0, PER_TILE // 16,
                          lambda j, c, g=g: (addr_body(g, j), c)[1], 0)
            for h in range(2):
                sl = pl.ds((g * 2 + h) * 6 * PER_TILE, 6 * PER_TILE)
                cp_b.append(pltpu.async_copy(
                    depth_sh.at[addr_v.at[sl]], d_v.at[sl], sem_b))
        cp_y = pltpu.async_copy(pk_v, pk_out.at[wid], sem_y)
        for cp in cp_b:
            cp.wait()
        pltpu.sync_copy(d_v, d_out.at[wid])
        cp_y.wait()

    return sc_kernel(depth_flat, packed, pidx)


def _tc_loss_body(d_ref, pk_ref, out_ref):
    normals = [[None] * 4, [None] * 4]
    for g in range(2):
        yc, xc = [], []
        for k in range(3):
            flat = pk_ref[:, g * 3 + k, :] - g * HW
            yc.append((flat >> 9).astype(jnp.float32) - float(H // 2))
            xc.append((flat & (W - 1)).astype(jnp.float32) - float(W // 2))
        for b in range(4):
            pts = []
            for k in range(3):
                d = d_ref[:, (g * 4 + b) * 3 + k, :]
                ad = jnp.abs(d)
                pts.append((xc[k] * ad * (1.0 / FX), yc[k] * ad * (1.0 / FY), d))
            e12 = tuple(pts[1][c] - pts[0][c] for c in range(3))
            e13 = tuple(pts[2][c] - pts[0][c] for c in range(3))
            nx = e12[1] * e13[2] - e12[2] * e13[1]
            ny = e12[2] * e13[0] - e12[0] * e13[2]
            nz = e12[0] * e13[1] - e12[1] * e13[0]
            norm = jnp.sqrt(nx * nx + ny * ny + nz * nz)
            denom = norm + jnp.where(norm == 0.0, jnp.float32(0.01),
                                     jnp.float32(0.0))
            normals[g][b] = (nx / denom, ny / denom, nz / denom)

    ji = (lax.broadcasted_iota(jnp.int32, (NTILES, PER_TILE), 0) * PER_TILE
          + lax.broadcasted_iota(jnp.int32, (NTILES, PER_TILE), 1))
    valid = ji < NS

    losses = []
    for b in range(4):
        gt_n, dt_n = normals[0][b], normals[1][b]
        losses.append(sum(jnp.abs(gt_n[c] - dt_n[c]) for c in range(3)))

    inf_bits = jnp.int32(0x7F800000)
    mbits = [jnp.where(valid, lax.bitcast_convert_type(v, jnp.int32), inf_bits)
             for v in losses]

    def bisect(_, lohi):
        lo, hi = lohi
        mid = lo + (hi - lo) // 2
        cnt = sum(jnp.sum((mb <= mid).astype(jnp.int32)) for mb in mbits)
        ge = cnt >= K_DROP
        return jnp.where(ge, lo, mid + 1), jnp.where(ge, mid, hi)

    _, t_bits = lax.fori_loop(0, 31, bisect, (jnp.int32(0), inf_bits))
    t = lax.bitcast_convert_type(t_bits, jnp.float32)

    cnt_lt = jnp.float32(0.0)
    sum_lt = jnp.float32(0.0)
    total = jnp.float32(0.0)
    for b in range(4):
        lt = valid & (losses[b] < t)
        cnt_lt = cnt_lt + jnp.sum(lt.astype(jnp.float32))
        sum_lt = sum_lt + jnp.sum(jnp.where(lt, losses[b], 0.0))
        total = total + jnp.sum(jnp.where(valid, losses[b], 0.0))
    dropped = sum_lt + (jnp.float32(K_DROP) - cnt_lt) * t
    out_ref[0, 0] = (total - dropped) * (1.0 / N_KEEP)


def _tc_loss(d24, pk6):
    return pl.pallas_call(
        _tc_loss_body,
        out_shape=jax.ShapeDtypeStruct((1, 1), jnp.float32),
        out_specs=pl.BlockSpec(memory_space=pltpu.SMEM),
    )(d24, pk6)


def kernel(gt_depth, pred_depth, gt_index, pred_index):
    depth_flat = jnp.concatenate(
        [gt_depth.reshape(4, HW), pred_depth.reshape(4, HW)]
    ).reshape(8 * HW)
    idx4 = jnp.concatenate(
        [gt_index.astype(jnp.int32), pred_index.astype(jnp.int32)]
    )
    idx4 = jnp.pad(idx4, ((0, 0), (0, PADN - NUM))).reshape(4, NROWS, 128)
    packed = _prepack(idx4).reshape(2 * PADN)
    d_out, pk_out = _sc_gather(depth_flat, packed, _sample_position_consts())
    out = _tc_loss(d_out.reshape(NTILES, 24, PER_TILE),
                   pk_out.reshape(NTILES, 6, PER_TILE))
    return out.reshape(())

# --- scband reference (transcript-rebuilt; emitter-appended) ---
"""Pipeline reference for scband-vn-loss-58385785422121 (READ-ONLY COPY).

The authoritative reference and input builder live on the scoring server;
editing this copy changes nothing except your own understanding.
"""

import jax, jax.numpy as jnp
import numpy as np

H, W = 384, 512
FX, FY = 518.8579, 519.4696
SAMPLE_RATIO = 0.15


def setup_inputs(seed: int = 0) -> dict:
    key = jax.random.key(seed)
    k1, k2, k3, k4 = jax.random.split(key, 4)
    gt_depth = jax.random.uniform(k1, (4, 1, H, W), dtype=jnp.float32)
    pred_depth = jax.random.uniform(k2, (4, 1, H, W), dtype=jnp.float32)
    gt_index = jax.random.randint(k3, (2, 100000), 0, 384).astype(jnp.int64)
    pred_index = jax.random.randint(k4, (2, 100000), 0, 384).astype(jnp.int64)
    return {"gt_depth": gt_depth, "pred_depth": pred_depth, "gt_index": gt_index, "pred_index": pred_index}


def _transfer_xyz(depth, u_u0, v_v0):
    x = u_u0 * jnp.abs(depth) / FX
    y = v_v0 * jnp.abs(depth) / FY
    z = depth
    pw = jnp.concatenate([x, y, z], axis=1)
    return jnp.transpose(pw, (0, 2, 3, 1))


def _form_pw_groups(idx, p1, p2, p3, pw):
    y1 = idx[0][p1]; x1 = idx[1][p1]
    y2 = idx[0][p2]; x2 = idx[1][p2]
    y3 = idx[0][p3]; x3 = idx[1][p3]
    pw1 = pw[:, y1, x1, :]
    pw2 = pw[:, y2, x2, :]
    pw3 = pw[:, y3, x3, :]
    return jnp.stack([pw1, pw2, pw3], axis=3)


def reference(gt_depth, pred_depth, gt_index, pred_index):
    u0 = float(W // 2)
    v0 = float(H // 2)
    u_u0 = jnp.tile(jnp.arange(W, dtype=jnp.float32), (H, 1))[None, :, :] - u0
    v_v0 = jnp.tile(jnp.arange(H, dtype=jnp.float32), (W, 1)).T[None, :, :] - v0

    num = gt_index.shape[1]
    n_s = int(num * SAMPLE_RATIO)
    skey = jax.random.key(42)
    sk1, sk2, sk3 = jax.random.split(skey, 3)
    p1 = jax.random.randint(sk1, (n_s,), 0, num)
    p2 = jax.random.randint(sk2, (n_s,), 0, num)
    p3 = jax.random.randint(sk3, (n_s,), 0, num)

    pw_gt = _transfer_xyz(gt_depth, u_u0, v_v0)
    pw_pred = _transfer_xyz(pred_depth, u_u0, v_v0)

    gt_points = _form_pw_groups(gt_index, p1, p2, p3, pw_gt).reshape(1, -1, 3, 3)
    dt_points = _form_pw_groups(pred_index, p1, p2, p3, pw_pred).reshape(1, -1, 3, 3)

    gt_p12 = gt_points[:, :, :, 1] - gt_points[:, :, :, 0]
    gt_p13 = gt_points[:, :, :, 2] - gt_points[:, :, :, 0]
    dt_p12 = dt_points[:, :, :, 1] - dt_points[:, :, :, 0]
    dt_p13 = dt_points[:, :, :, 2] - dt_points[:, :, :, 0]

    gt_normal = jnp.cross(gt_p12, gt_p13, axis=2)
    dt_normal = jnp.cross(dt_p12, dt_p13, axis=2)

    dt_norm = jnp.linalg.norm(dt_normal, ord=2, axis=2, keepdims=True)
    gt_norm = jnp.linalg.norm(gt_normal, ord=2, axis=2, keepdims=True)
    dt_mask = (dt_norm == 0.0).astype(jnp.float32) * 0.01
    gt_mask = (gt_norm == 0.0).astype(jnp.float32) * 0.01
    gt_norm = gt_norm + gt_mask
    dt_norm = dt_norm + dt_mask
    gt_normal = gt_normal / gt_norm
    dt_normal = dt_normal / dt_norm

    loss = jnp.abs(gt_normal - dt_normal)
    loss = jnp.sum(jnp.sum(loss, axis=2), axis=0)
    loss = jnp.sort(loss)
    loss = loss[int(loss.shape[0] * 0.25):]
    return jnp.mean(loss)

if __name__ == "__main__":
    import jax
    _d = setup_inputs()
    print(jax.jit(kernel)(*tuple(_d.values())))

</pallas_src>

<mosaic_0001>
#map = affine_map<(d0, d1) -> (0)>
#map1 = affine_map<(d0, d1) -> (0, 0)>
module attributes {stable_mosaic.version = 14 : i64} {
  func.func @sc_kernel(%arg0: i32, %arg1: i32, %arg2: memref<1572864xf32, #tpu.memory_space<hbm>>, %arg3: memref<200192xi32, #tpu.memory_space<hbm>>, %arg4: memref<32x3072xi32, #tpu.memory_space<hbm>>, %arg5: memref<32x12288xf32, #tpu.memory_space<hbm>>, %arg6: memref<32x3072xi32, #tpu.memory_space<hbm>>, %arg7: memref<3072xi32, #tpu.memory_space<vmem>>, %arg8: memref<3072xi32, #tpu.memory_space<vmem>>, %arg9: memref<12288xi32, #tpu.memory_space<vmem>>, %arg10: memref<12288xf32, #tpu.memory_space<vmem>>, %arg11: memref<1572864xf32, #tpu.memory_space<vmem_shared>>, %arg12: memref<!tpu.dma_semaphore, #tpu.memory_space<semaphore_mem>>, %arg13: memref<!tpu.dma_semaphore, #tpu.memory_space<semaphore_mem>>, %arg14: memref<!tpu.dma_semaphore, #tpu.memory_space<semaphore_mem>>, %arg15: memref<!tpu.dma_semaphore, #tpu.memory_space<semaphore_mem>>) attributes {dimension_semantics = [#tpu.dimension_semantics<core_parallel>, #tpu.dimension_semantics<subcore_parallel>], iteration_bounds = array<i64: 2, 16>, scalar_prefetch = 0 : i64, scratch_operands = 9 : i64, tpu.core_type = #tpu.core_type<sc_vector_subcore>, window_params = [{transform_indices = #map}, {transform_indices = #map}, {transform_indices = #map1}, {transform_indices = #map1}, {transform_indices = #map1}]} {
    %mul3A = arith.constant 2 : i32
    %mul3A_0 = arith.muli %arg1, %mul3A : i32
    %add3A = arith.addi %mul3A_0, %arg0 : i32
    %mul3A_1 = arith.constant 98304 : i32
    %mul3A_2 = arith.muli %arg1, %mul3A_1 : i32
    %mul3A_3 = arith.constant 98304 : i32
    %mul3A_4 = arith.muli %arg1, %mul3A_3 : i32
    "tpu.region"() ({
      %run_scoped3A = tpu.sem_alloc : memref<!tpu.dma_semaphore, #tpu.memory_space<semaphore_mem>>
      %dma_start3A_98 = tpu.memref_slice %arg11[%mul3A_4] : memref<1572864xf32, #tpu.memory_space<vmem_shared>> -> memref<98304xf32, #tpu.memory_space<vmem_shared>>
      %dma_start3A_99 = tpu.memref_slice %arg2[%mul3A_2] : memref<1572864xf32, #tpu.memory_space<hbm>> -> memref<98304xf32, #tpu.memory_space<hbm>>
      tpu.enqueue_dma source(%dma_start3A_99 : memref<98304xf32, #tpu.memory_space<hbm>>) target(%dma_start3A_98 : memref<98304xf32, #tpu.memory_space<vmem_shared>>) target_semaphore(%run_scoped3A : memref<!tpu.dma_semaphore, #tpu.memory_space<semaphore_mem>>)
      %dma_wait3A_100 = tpu.memref_slice %arg11[%mul3A_4] : memref<1572864xf32, #tpu.memory_space<vmem_shared>> -> memref<98304xf32, #tpu.memory_space<vmem_shared>>
      %dma_wait3A_101 = tpu.memref_slice %arg2[%mul3A_2] : memref<1572864xf32, #tpu.memory_space<hbm>> -> memref<98304xf32, #tpu.memory_space<hbm>>
      tpu.wait_dma2 semaphore(%run_scoped3A : memref<!tpu.dma_semaphore, #tpu.memory_space<semaphore_mem>>) src(%dma_wait3A_101 : memref<98304xf32, #tpu.memory_space<hbm>>) dst(%dma_wait3A_100 : memref<98304xf32, #tpu.memory_space<vmem_shared>>)
      tpu.yield
    }) : () -> ()
    "tpu.region"() ({
      %run_scoped3A = tpu.sem_alloc : memref<!tpu.dma_semaphore, #tpu.memory_space<semaphore_mem>>
      %dma_start3A_98 = arith.constant 0 : i32
      %dma_start3A_99 = tpu.memref_slice %arg4[%add3A, %dma_start3A_98] : memref<32x3072xi32, #tpu.memory_space<hbm>> -> memref<1x3072xi32, #tpu.memory_space<hbm>>
      %dma_start3A_100 = tpu.memref_squeeze %dma_start3A_99 : memref<1x3072xi32, #tpu.memory_space<hbm>> -> memref<3072xi32, #tpu.memory_space<hbm>>
      %dma_start3A_101 = arith.constant 0 : i32
      %dma_start3A_102 = tpu.memref_slice %arg4[%add3A, %dma_start3A_101] : memref<32x3072xi32, #tpu.memory_space<hbm>> -> memref<1x3072xi32, #tpu.memory_space<hbm>>
      %dma_start3A_103 = tpu.memref_squeeze %dma_start3A_102 : memref<1x3072xi32, #tpu.memory_space<hbm>> -> memref<3072xi32, #tpu.memory_space<hbm>>
      tpu.enqueue_dma source(%dma_start3A_103 : memref<3072xi32, #tpu.memory_space<hbm>>) target(%arg7 : memref<3072xi32, #tpu.memory_space<vmem>>) target_semaphore(%run_scoped3A : memref<!tpu.dma_semaphore, #tpu.memory_space<semaphore_mem>>)
      %dma_wait3A_104 = arith.constant 0 : i32
      %dma_wait3A_105 = tpu.memref_slice %arg4[%add3A, %dma_wait3A_104] : memref<32x3072xi32, #tpu.memory_space<hbm>> -> memref<1x3072xi32, #tpu.memory_space<hbm>>
      %dma_wait3A_106 = tpu.memref_squeeze %dma_wait3A_105 : memref<1x3072xi32, #tpu.memory_space<hbm>> -> memref<3072xi32, #tpu.memory_space<hbm>>
      %dma_wait3A_107 = arith.constant 0 : i32
      %dma_wait3A_108 = tpu.memref_slice %arg4[%add3A, %dma_wait3A_107] : memref<32x3072xi32, #tpu.memory_space<hbm>> -> memref<1x3072xi32, #tpu.memory_space<hbm>>
      %dma_wait3A_109 = tpu.memref_squeeze %dma_wait3A_108 : memref<1x3072xi32, #tpu.memory_space<hbm>> -> memref<3072xi32, #tpu.memory_space<hbm>>
      tpu.wait_dma2 semaphore(%run_scoped3A : memref<!tpu.dma_semaphore, #tpu.memory_space<semaphore_mem>>) src(%dma_wait3A_109 : memref<3072xi32, #tpu.memory_space<hbm>>) dst(%arg7 : memref<3072xi32, #tpu.memory_space<vmem>>)
      tpu.yield
    }) : () -> ()
    %dma_start3A = arith.constant 0 : i32
    %dma_start3A_5 = tpu.memref_slice %arg8[%dma_start3A] : memref<3072xi32, #tpu.memory_space<vmem>> -> memref<1536xi32, #tpu.memory_space<vmem>>
    %dma_start3A_6 = arith.constant 0 : i32
    %dma_start3A_7 = tpu.memref_slice %arg7[%dma_start3A_6] : memref<3072xi32, #tpu.memory_space<vmem>> -> memref<1536xi32, #tpu.memory_space<vmem>>
    %dma_start3A_8 = arith.constant 0 : i32
    %dma_start3A_9 = tpu.memref_slice %arg3[%dma_start3A_8] : memref<200192xi32, #tpu.memory_space<hbm>> -> memref<200192xi32, #tpu.memory_space<hbm>>
    tpu.enqueue_indirect_dma source(%dma_start3A_9 : memref<200192xi32, #tpu.memory_space<hbm>>) target(%dma_start3A_5 : memref<1536xi32, #tpu.memory_space<vmem>>) offsets(%dma_start3A_7 : memref<1536xi32, #tpu.memory_space<vmem>>) semaphore(%arg12 : memref<!tpu.dma_semaphore, #tpu.memory_space<semaphore_mem>>)
    %dma_start3A_10 = arith.constant 1536 : i32
    %dma_start3A_11 = tpu.memref_slice %arg8[%dma_start3A_10] : memref<3072xi32, #tpu.memory_space<vmem>> -> memref<1536xi32, #tpu.memory_space<vmem>>
    %dma_start3A_12 = arith.constant 1536 : i32
    %dma_start3A_13 = tpu.memref_slice %arg7[%dma_start3A_12] : memref<3072xi32, #tpu.memory_space<vmem>> -> memref<1536xi32, #tpu.memory_space<vmem>>
    %dma_start3A_14 = arith.constant 0 : i32
    %dma_start3A_15 = tpu.memref_slice %arg3[%dma_start3A_14] : memref<200192xi32, #tpu.memory_space<hbm>> -> memref<200192xi32, #tpu.memory_space<hbm>>
    tpu.enqueue_indirect_dma source(%dma_start3A_15 : memref<200192xi32, #tpu.memory_space<hbm>>) target(%dma_start3A_11 : memref<1536xi32, #tpu.memory_space<vmem>>) offsets(%dma_start3A_13 : memref<1536xi32, #tpu.memory_space<vmem>>) semaphore(%arg13 : memref<!tpu.dma_semaphore, #tpu.memory_space<semaphore_mem>>)
    %barrier3A = arith.constant 0 : index
    tpu.barrier barrier_id(%barrier3A)
    %dma_wait3A = arith.constant 0 : i32
    %dma_wait3A_16 = tpu.memref_slice %arg8[%dma_wait3A] : memref<3072xi32, #tpu.memory_space<vmem>> -> memref<1536xi32, #tpu.memory_space<vmem>>
    %dma_wait3A_17 = arith.constant 0 : i32
    %dma_wait3A_18 = tpu.memref_slice %arg7[%dma_wait3A_17] : memref<3072xi32, #tpu.memory_space<vmem>> -> memref<1536xi32, #tpu.memory_space<vmem>>
    %dma_wait3A_19 = arith.constant 0 : i32
    %dma_wait3A_20 = tpu.memref_slice %arg3[%dma_wait3A_19] : memref<200192xi32, #tpu.memory_space<hbm>> -> memref<200192xi32, #tpu.memory_space<hbm>>
    tpu.wait_indirect_dma semaphore(%arg12 : memref<!tpu.dma_semaphore, #tpu.memory_space<semaphore_mem>>) src(%dma_wait3A_20 : memref<200192xi32, #tpu.memory_space<hbm>>) dst(%dma_wait3A_16 : memref<1536xi32, #tpu.memory_space<vmem>>)
    %scan3A = arith.constant 0 : i32
    %scan3A_21 = arith.constant 0 : i32
    %scan3A_22 = arith.constant 32 : i32
    %scan3A_23 = arith.addi %scan3A_21, %scan3A_22 : i32
    %scan3A_24 = arith.constant 1 : i32
    scf.for %scan3A_98 = %scan3A_21 to %scan3A_23 step %scan3A_24  : i32 {
      %mul3A_99 = arith.constant 16 : i32
      %mul3A_100 = arith.muli %scan3A_98, %mul3A_99 : i32
      %add3A_101 = arith.constant 0 : i32
      %add3A_102 = arith.addi %add3A_101, %mul3A_100 : i32
      %get3A = arith.index_cast %add3A_102 : i32 to index
      %get3A_103 = tpu.vector_load %arg8[%get3A] {strides = array<i32>} : memref<3072xi32, #tpu.memory_space<vmem>>, vector<16xi32>,
      %get3A_104 = vector.shape_cast %get3A_103 : vector<16xi32> to vector<16xi32>
      %add3A_105 = arith.constant 0 : i32
      %add3A_106 = vector.broadcast %add3A_105 : i32 to vector<16xi32>
      %add3A_107 = arith.addi %get3A_104, %add3A_106 : vector<16xi32>
      %mul3A_108 = arith.constant 16 : i32
      %mul3A_109 = arith.muli %scan3A_98, %mul3A_108 : i32
      %add3A_110 = arith.constant 0 : i32
      %add3A_111 = arith.addi %add3A_110, %mul3A_109 : i32
      %swap3A = arith.index_cast %add3A_111 : i32 to index
      %swap3A_112 = tpu.vector_load %arg9[%swap3A] {strides = array<i32>} : memref<12288xi32, #tpu.memory_space<vmem>>, vector<16xi32>,
      %swap3A_113 = vector.shape_cast %swap3A_112 : vector<16xi32> to vector<16xi32>
      %swap3A_114 = vector.shape_cast %add3A_107 : vector<16xi32> to vector<16xi32>
      tpu.vector_store %arg9[%swap3A], %swap3A_114 {strides = array<i32>} : memref<12288xi32, #tpu.memory_space<vmem>>, vector<16xi32>,
      %add3A_115 = arith.constant 196608 : i32
      %add3A_116 = vector.broadcast %add3A_115 : i32 to vector<16xi32>
      %add3A_117 = arith.addi %get3A_104, %add3A_116 : vector<16xi32>
      %mul3A_118 = arith.constant 16 : i32
      %mul3A_119 = arith.muli %scan3A_98, %mul3A_118 : i32
      %add3A_120 = arith.constant 1536 : i32
      %add3A_121 = arith.addi %add3A_120, %mul3A_119 : i32
      %swap3A_122 = arith.index_cast %add3A_121 : i32 to index
      %swap3A_123 = tpu.vector_load %arg9[%swap3A_122] {strides = array<i32>} : memref<12288xi32, #tpu.memory_space<vmem>>, vector<16xi32>,
      %swap3A_124 = vector.shape_cast %swap3A_123 : vector<16xi32> to vector<16xi32>
      %swap3A_125 = vector.shape_cast %add3A_117 : vector<16xi32> to vector<16xi32>
      tpu.vector_store %arg9[%swap3A_122], %swap3A_125 {strides = array<i32>} : memref<12288xi32, #tpu.memory_space<vmem>>, vector<16xi32>,
      %add3A_126 = arith.constant 393216 : i32
      %add3A_127 = vector.broadcast %add3A_126 : i32 to vector<16xi32>
      %add3A_128 = arith.addi %get3A_104, %add3A_127 : vector<16xi32>
      %mul3A_129 = arith.constant 16 : i32
      %mul3A_130 = arith.muli %scan3A_98, %mul3A_129 : i32
      %add3A_131 = arith.constant 3072 : i32
      %add3A_132 = arith.addi %add3A_131, %mul3A_130 : i32
      %swap3A_133 = arith.index_cast %add3A_132 : i32 to index
      %swap3A_134 = tpu.vector_load %arg9[%swap3A_133] {strides = array<i32>} : memref<12288xi32, #tpu.memory_space<vmem>>, vector<16xi32>,
      %swap3A_135 = vector.shape_cast %swap3A_134 : vector<16xi32> to vector<16xi32>
      %swap3A_136 = vector.shape_cast %add3A_128 : vector<16xi32> to vector<16xi32>
      tpu.vector_store %arg9[%swap3A_133], %swap3A_136 {strides = array<i32>} : memref<12288xi32, #tpu.memory_space<vmem>>, vector<16xi32>,
      %add3A_137 = arith.constant 589824 : i32
      %add3A_138 = vector.broadcast %add3A_137 : i32 to vector<16xi32>
      %add3A_139 = arith.addi %get3A_104, %add3A_138 : vector<16xi32>
      %mul3A_140 = arith.constant 16 : i32
      %mul3A_141 = arith.muli %scan3A_98, %mul3A_140 : i32
      %add3A_142 = arith.constant 4608 : i32
      %add3A_143 = arith.addi %add3A_142, %mul3A_141 : i32
      %swap3A_144 = arith.index_cast %add3A_143 : i32 to index
      %swap3A_145 = tpu.vector_load %arg9[%swap3A_144] {strides = array<i32>} : memref<12288xi32, #tpu.memory_space<vmem>>, vector<16xi32>,
      %swap3A_146 = vector.shape_cast %swap3A_145 : vector<16xi32> to vector<16xi32>
      %swap3A_147 = vector.shape_cast %add3A_139 : vector<16xi32> to vector<16xi32>
      tpu.vector_store %arg9[%swap3A_144], %swap3A_147 {strides = array<i32>} : memref<12288xi32, #tpu.memory_space<vmem>>, vector<16xi32>,
      %mul3A_148 = arith.constant 16 : i32
      %mul3A_149 = arith.muli %scan3A_98, %mul3A_148 : i32
      %add3A_150 = arith.constant 512 : i32
      %add3A_151 = arith.addi %add3A_150, %mul3A_149 : i32
      %get3A_152 = arith.index_cast %add3A_151 : i32 to index
      %get3A_153 = tpu.vector_load %arg8[%get3A_152] {strides = array<i32>} : memref<3072xi32, #tpu.memory_space<vmem>>, vector<16xi32>,
      %get3A_154 = vector.shape_cast %get3A_153 : vector<16xi32> to vector<16xi32>
      %add3A_155 = arith.constant 0 : i32
      %add3A_156 = vector.broadcast %add3A_155 : i32 to vector<16xi32>
      %add3A_157 = arith.addi %get3A_154, %add3A_156 : vector<16xi32>
      %mul3A_158 = arith.constant 16 : i32
      %mul3A_159 = arith.muli %scan3A_98, %mul3A_158 : i32
      %add3A_160 = arith.constant 512 : i32
      %add3A_161 = arith.addi %add3A_160, %mul3A_159 : i32
      %swap3A_162 = arith.index_cast %add3A_161 : i32 to index
      %swap3A_163 = tpu.vector_load %arg9[%swap3A_162] {strides = array<i32>} : memref<12288xi32, #tpu.memory_space<vmem>>, vector<16xi32>,
      %swap3A_164 = vector.shape_cast %swap3A_163 : vector<16xi32> to vector<16xi32>
      %swap3A_165 = vector.shape_cast %add3A_157 : vector<16xi32> to vector<16xi32>
      tpu.vector_store %arg9[%swap3A_162], %swap3A_165 {strides = array<i32>} : memref<12288xi32, #tpu.memory_space<vmem>>, vector<16xi32>,
      %add3A_166 = arith.constant 196608 : i32
      %add3A_167 = vector.broadcast %add3A_166 : i32 to vector<16xi32>
      %add3A_168 = arith.addi %get3A_154, %add3A_167 : vector<16xi32>
      %mul3A_169 = arith.constant 16 : i32
      %mul3A_170 = arith.muli %scan3A_98, %mul3A_169 : i32
      %add3A_171 = arith.constant 2048 : i32
      %add3A_172 = arith.addi %add3A_171, %mul3A_170 : i32
      %swap3A_173 = arith.index_cast %add3A_172 : i32 to index
      %swap3A_174 = tpu.vector_load %arg9[%swap3A_173] {strides = array<i32>} : memref<12288xi32, #tpu.memory_space<vmem>>, vector<16xi32>,
      %swap3A_175 = vector.shape_cast %swap3A_174 : vector<16xi32> to vector<16xi32>
      %swap3A_176 = vector.shape_cast %add3A_168 : vector<16xi32> to vector<16xi32>
      tpu.vector_store %arg9[%swap3A_173], %swap3A_176 {strides = array<i32>} : memref<12288xi32, #tpu.memory_space<vmem>>, vector<16xi32>,
      %add3A_177 = arith.constant 393216 : i32
      %add3A_178 = vector.broadcast %add3A_177 : i32 to vector<16xi32>
      %add3A_179 = arith.addi %get3A_154, %add3A_178 : vector<16xi32>
      %mul3A_180 = arith.constant 16 : i32
      %mul3A_181 = arith.muli %scan3A_98, %mul3A_180 : i32
      %add3A_182 = arith.constant 3584 : i32
      %add3A_183 = arith.addi %add3A_182, %mul3A_181 : i32
      %swap3A_184 = arith.index_cast %add3A_183 : i32 to index
      %swap3A_185 = tpu.vector_load %arg9[%swap3A_184] {strides = array<i32>} : memref<12288xi32, #tpu.memory_space<vmem>>, vector<16xi32>,
      %swap3A_186 = vector.shape_cast %swap3A_185 : vector<16xi32> to vector<16xi32>
      %swap3A_187 = vector.shape_cast %add3A_179 : vector<16xi32> to vector<16xi32>
      tpu.vector_store %arg9[%swap3A_184], %swap3A_187 {strides = array<i32>} : memref<12288xi32, #tpu.memory_space<vmem>>, vector<16xi32>,
      %add3A_188 = arith.constant 589824 : i32
      %add3A_189 = vector.broadcast %add3A_188 : i32 to vector<16xi32>
      %add3A_190 = arith.addi %get3A_154, %add3A_189 : vector<16xi32>
      %mul3A_191 = arith.constant 16 : i32
      %mul3A_192 = arith.muli %scan3A_98, %mul3A_191 : i32
      %add3A_193 = arith.constant 5120 : i32
      %add3A_194 = arith.addi %add3A_193, %mul3A_192 : i32
      %swap3A_195 = arith.index_cast %add3A_194 : i32 to index
      %swap3A_196 = tpu.vector_load %arg9[%swap3A_195] {strides = array<i32>} : memref<12288xi32, #tpu.memory_space<vmem>>, vector<16xi32>,
      %swap3A_197 = vector.shape_cast %swap3A_196 : vector<16xi32> to vector<16xi32>
      %swap3A_198 = vector.shape_cast %add3A_190 : vector<16xi32> to vector<16xi32>
      tpu.vector_store %arg9[%swap3A_195], %swap3A_198 {strides = array<i32>} : memref<12288xi32, #tpu.memory_space<vmem>>, vector<16xi32>,
      %mul3A_199 = arith.constant 16 : i32
      %mul3A_200 = arith.muli %scan3A_98, %mul3A_199 : i32
      %add3A_201 = arith.constant 1024 : i32
      %add3A_202 = arith.addi %add3A_201, %mul3A_200 : i32
      %get3A_203 = arith.index_cast %add3A_202 : i32 to index
      %get3A_204 = tpu.vector_load %arg8[%get3A_203] {strides = array<i32>} : memref<3072xi32, #tpu.memory_space<vmem>>, vector<16xi32>,
      %get3A_205 = vector.shape_cast %get3A_204 : vector<16xi32> to vector<16xi32>
      %add3A_206 = arith.constant 0 : i32
      %add3A_207 = vector.broadcast %add3A_206 : i32 to vector<16xi32>
      %add3A_208 = arith.addi %get3A_205, %add3A_207 : vector<16xi32>
      %mul3A_209 = arith.constant 16 : i32
      %mul3A_210 = arith.muli %scan3A_98, %mul3A_209 : i32
      %add3A_211 = arith.constant 1024 : i32
      %add3A_212 = arith.addi %add3A_211, %mul3A_210 : i32
      %swap3A_213 = arith.index_cast %add3A_212 : i32 to index
      %swap3A_214 = tpu.vector_load %arg9[%swap3A_213] {strides = array<i32>} : memref<12288xi32, #tpu.memory_space<vmem>>, vector<16xi32>,
      %swap3A_215 = vector.shape_cast %swap3A_214 : vector<16xi32> to vector<16xi32>
      %swap3A_216 = vector.shape_cast %add3A_208 : vector<16xi32> to vector<16xi32>
      tpu.vector_store %arg9[%swap3A_213], %swap3A_216 {strides = array<i32>} : memref<12288xi32, #tpu.memory_space<vmem>>, vector<16xi32>,
      %add3A_217 = arith.constant 196608 : i32
      %add3A_218 = vector.broadcast %add3A_217 : i32 to vector<16xi32>
      %add3A_219 = arith.addi %get3A_205, %add3A_218 : vector<16xi32>
      %mul3A_220 = arith.constant 16 : i32
      %mul3A_221 = arith.muli %scan3A_98, %mul3A_220 : i32
      %add3A_222 = arith.constant 2560 : i32
      %add3A_223 = arith.addi %add3A_222, %mul3A_221 : i32
      %swap3A_224 = arith.index_cast %add3A_223 : i32 to index
      %swap3A_225 = tpu.vector_load %arg9[%swap3A_224] {strides = array<i32>} : memref<12288xi32, #tpu.memory_space<vmem>>, vector<16xi32>,
      %swap3A_226 = vector.shape_cast %swap3A_225 : vector<16xi32> to vector<16xi32>
      %swap3A_227 = vector.shape_cast %add3A_219 : vector<16xi32> to vector<16xi32>
      tpu.vector_store %arg9[%swap3A_224], %swap3A_227 {strides = array<i32>} : memref<12288xi32, #tpu.memory_space<vmem>>, vector<16xi32>,
      %add3A_228 = arith.constant 393216 : i32
      %add3A_229 = vector.broadcast %add3A_228 : i32 to vector<16xi32>
      %add3A_230 = arith.addi %get3A_205, %add3A_229 : vector<16xi32>
      %mul3A_231 = arith.constant 16 : i32
      %mul3A_232 = arith.muli %scan3A_98, %mul3A_231 : i32
      %add3A_233 = arith.constant 4096 : i32
      %add3A_234 = arith.addi %add3A_233, %mul3A_232 : i32
      %swap3A_235 = arith.index_cast %add3A_234 : i32 to index
      %swap3A_236 = tpu.vector_load %arg9[%swap3A_235] {strides = array<i32>} : memref<12288xi32, #tpu.memory_space<vmem>>, vector<16xi32>,
      %swap3A_237 = vector.shape_cast %swap3A_236 : vector<16xi32> to vector<16xi32>
      %swap3A_238 = vector.shape_cast %add3A_230 : vector<16xi32> to vector<16xi32>
      tpu.vector_store %arg9[%swap3A_235], %swap3A_238 {strides = array<i32>} : memref<12288xi32, #tpu.memory_space<vmem>>, vector<16xi32>,
      %add3A_239 = arith.constant 589824 : i32
      %add3A_240 = vector.broadcast %add3A_239 : i32 to vector<16xi32>
      %add3A_241 = arith.addi %get3A_205, %add3A_240 : vector<16xi32>
      %mul3A_242 = arith.constant 16 : i32
      %mul3A_243 = arith.muli %scan3A_98, %mul3A_242 : i32
      %add3A_244 = arith.constant 5632 : i32
      %add3A_245 = arith.addi %add3A_244, %mul3A_243 : i32
      %swap3A_246 = arith.index_cast %add3A_245 : i32 to index
      %swap3A_247 = tpu.vector_load %arg9[%swap3A_246] {strides = array<i32>} : memref<12288xi32, #tpu.memory_space<vmem>>, vector<16xi32>,
      %swap3A_248 = vector.shape_cast %swap3A_247 : vector<16xi32> to vector<16xi32>
      %swap3A_249 = vector.shape_cast %add3A_241 : vector<16xi32> to vector<16xi32>
      tpu.vector_store %arg9[%swap3A_246], %swap3A_249 {strides = array<i32>} : memref<12288xi32, #tpu.memory_space<vmem>>, vector<16xi32>,
    }
    %scan3A_25 = arith.constant 32 : i32
    %dma_start3A_26 = arith.constant 0 : i32
    %dma_start3A_27 = tpu.memref_slice %arg10[%dma_start3A_26] : memref<12288xf32, #tpu.memory_space<vmem>> -> memref<3072xf32, #tpu.memory_space<vmem>>
    %dma_start3A_28 = arith.constant 0 : i32
    %dma_start3A_29 = tpu.memref_slice %arg9[%dma_start3A_28] : memref<12288xi32, #tpu.memory_space<vmem>> -> memref<3072xi32, #tpu.memory_space<vmem>>
    %dma_start3A_30 = arith.constant 0 : i32
    %dma_start3A_31 = tpu.memref_slice %arg11[%dma_start3A_30] : memref<1572864xf32, #tpu.memory_space<vmem_shared>> -> memref<1572864xf32, #tpu.memory_space<vmem_shared>>
    tpu.enqueue_indirect_dma source(%dma_start3A_31 : memref<1572864xf32, #tpu.memory_space<vmem_shared>>) target(%dma_start3A_27 : memref<3072xf32, #tpu.memory_space<vmem>>) offsets(%dma_start3A_29 : memref<3072xi32, #tpu.memory_space<vmem>>) semaphore(%arg14 : memref<!tpu.dma_semaphore, #tpu.memory_space<semaphore_mem>>)
    %dma_start3A_32 = arith.constant 3072 : i32
    %dma_start3A_33 = tpu.memref_slice %arg10[%dma_start3A_32] : memref<12288xf32, #tpu.memory_space<vmem>> -> memref<3072xf32, #tpu.memory_space<vmem>>
    %dma_start3A_34 = arith.constant 3072 : i32
    %dma_start3A_35 = tpu.memref_slice %arg9[%dma_start3A_34] : memref<12288xi32, #tpu.memory_space<vmem>> -> memref<3072xi32, #tpu.memory_space<vmem>>
    %dma_start3A_36 = arith.constant 0 : i32
    %dma_start3A_37 = tpu.memref_slice %arg11[%dma_start3A_36] : memref<1572864xf32, #tpu.memory_space<vmem_shared>> -> memref<1572864xf32, #tpu.memory_space<vmem_shared>>
    tpu.enqueue_indirect_dma source(%dma_start3A_37 : memref<1572864xf32, #tpu.memory_space<vmem_shared>>) target(%dma_start3A_33 : memref<3072xf32, #tpu.memory_space<vmem>>) offsets(%dma_start3A_35 : memref<3072xi32, #tpu.memory_space<vmem>>) semaphore(%arg14 : memref<!tpu.dma_semaphore, #tpu.memory_space<semaphore_mem>>)
    %dma_wait3A_38 = arith.constant 1536 : i32
    %dma_wait3A_39 = tpu.memref_slice %arg8[%dma_wait3A_38] : memref<3072xi32, #tpu.memory_space<vmem>> -> memref<1536xi32, #tpu.memory_space<vmem>>
    %dma_wait3A_40 = arith.constant 1536 : i32
    %dma_wait3A_41 = tpu.memref_slice %arg7[%dma_wait3A_40] : memref<3072xi32, #tpu.memory_space<vmem>> -> memref<1536xi32, #tpu.memory_space<vmem>>
    %dma_wait3A_42 = arith.constant 0 : i32
    %dma_wait3A_43 = tpu.memref_slice %arg3[%dma_wait3A_42] : memref<200192xi32, #tpu.memory_space<hbm>> -> memref<200192xi32, #tpu.memory_space<hbm>>
    tpu.wait_indirect_dma semaphore(%arg13 : memref<!tpu.dma_semaphore, #tpu.memory_space<semaphore_mem>>) src(%dma_wait3A_43 : memref<200192xi32, #tpu.memory_space<hbm>>) dst(%dma_wait3A_39 : memref<1536xi32, #tpu.memory_space<vmem>>)
    %scan3A_44 = arith.constant 0 : i32
    %scan3A_45 = arith.constant 0 : i32
    %scan3A_46 = arith.constant 32 : i32
    %scan3A_47 = arith.addi %scan3A_45, %scan3A_46 : i32
    %scan3A_48 = arith.constant 1 : i32
    scf.for %scan3A_98 = %scan3A_45 to %scan3A_47 step %scan3A_48  : i32 {
      %mul3A_99 = arith.constant 16 : i32
      %mul3A_100 = arith.muli %scan3A_98, %mul3A_99 : i32
      %add3A_101 = arith.constant 1536 : i32
      %add3A_102 = arith.addi %add3A_101, %mul3A_100 : i32
      %get3A = arith.index_cast %add3A_102 : i32 to index
      %get3A_103 = tpu.vector_load %arg8[%get3A] {strides = array<i32>} : memref<3072xi32, #tpu.memory_space<vmem>>, vector<16xi32>,
      %get3A_104 = vector.shape_cast %get3A_103 : vector<16xi32> to vector<16xi32>
      %add3A_105 = arith.constant 589824 : i32
      %add3A_106 = vector.broadcast %add3A_105 : i32 to vector<16xi32>
      %add3A_107 = arith.addi %get3A_104, %add3A_106 : vector<16xi32>
      %mul3A_108 = arith.constant 16 : i32
      %mul3A_109 = arith.muli %scan3A_98, %mul3A_108 : i32
      %add3A_110 = arith.constant 6144 : i32
      %add3A_111 = arith.addi %add3A_110, %mul3A_109 : i32
      %swap3A = arith.index_cast %add3A_111 : i32 to index
      %swap3A_112 = tpu.vector_load %arg9[%swap3A] {strides = array<i32>} : memref<12288xi32, #tpu.memory_space<vmem>>, vector<16xi32>,
      %swap3A_113 = vector.shape_cast %swap3A_112 : vector<16xi32> to vector<16xi32>
      %swap3A_114 = vector.shape_cast %add3A_107 : vector<16xi32> to vector<16xi32>
      tpu.vector_store %arg9[%swap3A], %swap3A_114 {strides = array<i32>} : memref<12288xi32, #tpu.memory_space<vmem>>, vector<16xi32>,
      %add3A_115 = arith.constant 786432 : i32
      %add3A_116 = vector.broadcast %add3A_115 : i32 to vector<16xi32>
      %add3A_117 = arith.addi %get3A_104, %add3A_116 : vector<16xi32>
      %mul3A_118 = arith.constant 16 : i32
      %mul3A_119 = arith.muli %scan3A_98, %mul3A_118 : i32
      %add3A_120 = arith.constant 7680 : i32
      %add3A_121 = arith.addi %add3A_120, %mul3A_119 : i32
      %swap3A_122 = arith.index_cast %add3A_121 : i32 to index
      %swap3A_123 = tpu.vector_load %arg9[%swap3A_122] {strides = array<i32>} : memref<12288xi32, #tpu.memory_space<vmem>>, vector<16xi32>,
      %swap3A_124 = vector.shape_cast %swap3A_123 : vector<16xi32> to vector<16xi32>
      %swap3A_125 = vector.shape_cast %add3A_117 : vector<16xi32> to vector<16xi32>
      tpu.vector_store %arg9[%swap3A_122], %swap3A_125 {strides = array<i32>} : memref<12288xi32, #tpu.memory_space<vmem>>, vector<16xi32>,
      %add3A_126 = arith.constant 983040 : i32
      %add3A_127 = vector.broadcast %add3A_126 : i32 to vector<16xi32>
      %add3A_128 = arith.addi %get3A_104, %add3A_127 : vector<16xi32>
      %mul3A_129 = arith.constant 16 : i32
      %mul3A_130 = arith.muli %scan3A_98, %mul3A_129 : i32
      %add3A_131 = arith.constant 9216 : i32
      %add3A_132 = arith.addi %add3A_131, %mul3A_130 : i32
      %swap3A_133 = arith.index_cast %add3A_132 : i32 to index
      %swap3A_134 = tpu.vector_load %arg9[%swap3A_133] {strides = array<i32>} : memref<12288xi32, #tpu.memory_space<vmem>>, vector<16xi32>,
      %swap3A_135 = vector.shape_cast %swap3A_134 : vector<16xi32> to vector<16xi32>
      %swap3A_136 = vector.shape_cast %add3A_128 : vector<16xi32> to vector<16xi32>
      tpu.vector_store %arg9[%swap3A_133], %swap3A_136 {strides = array<i32>} : memref<12288xi32, #tpu.memory_space<vmem>>, vector<16xi32>,
      %add3A_137 = arith.constant 1179648 : i32
      %add3A_138 = vector.broadcast %add3A_137 : i32 to vector<16xi32>
      %add3A_139 = arith.addi %get3A_104, %add3A_138 : vector<16xi32>
      %mul3A_140 = arith.constant 16 : i32
      %mul3A_141 = arith.muli %scan3A_98, %mul3A_140 : i32
      %add3A_142 = arith.constant 10752 : i32
      %add3A_143 = arith.addi %add3A_142, %mul3A_141 : i32
      %swap3A_144 = arith.index_cast %add3A_143 : i32 to index
      %swap3A_145 = tpu.vector_load %arg9[%swap3A_144] {strides = array<i32>} : memref<12288xi32, #tpu.memory_space<vmem>>, vector<16xi32>,
      %swap3A_146 = vector.shape_cast %swap3A_145 : vector<16xi32> to vector<16xi32>
      %swap3A_147 = vector.shape_cast %add3A_139 : vector<16xi32> to vector<16xi32>
      tpu.vector_store %arg9[%swap3A_144], %swap3A_147 {strides = array<i32>} : memref<12288xi32, #tpu.memory_space<vmem>>, vector<16xi32>,
      %mul3A_148 = arith.constant 16 : i32
      %mul3A_149 = arith.muli %scan3A_98, %mul3A_148 : i32
      %add3A_150 = arith.constant 2048 : i32
      %add3A_151 = arith.addi %add3A_150, %mul3A_149 : i32
      %get3A_152 = arith.index_cast %add3A_151 : i32 to index
      %get3A_153 = tpu.vector_load %arg8[%get3A_152] {strides = array<i32>} : memref<3072xi32, #tpu.memory_space<vmem>>, vector<16xi32>,
      %get3A_154 = vector.shape_cast %get3A_153 : vector<16xi32> to vector<16xi32>
      %add3A_155 = arith.constant 589824 : i32
      %add3A_156 = vector.broadcast %add3A_155 : i32 to vector<16xi32>
      %add3A_157 = arith.addi %get3A_154, %add3A_156 : vector<16xi32>
      %mul3A_158 = arith.constant 16 : i32
      %mul3A_159 = arith.muli %scan3A_98, %mul3A_158 : i32
      %add3A_160 = arith.constant 6656 : i32
      %add3A_161 = arith.addi %add3A_160, %mul3A_159 : i32
      %swap3A_162 = arith.index_cast %add3A_161 : i32 to index
      %swap3A_163 = tpu.vector_load %arg9[%swap3A_162] {strides = array<i32>} : memref<12288xi32, #tpu.memory_space<vmem>>, vector<16xi32>,
      %swap3A_164 = vector.shape_cast %swap3A_163 : vector<16xi32> to vector<16xi32>
      %swap3A_165 = vector.shape_cast %add3A_157 : vector<16xi32> to vector<16xi32>
      tpu.vector_store %arg9[%swap3A_162], %swap3A_165 {strides = array<i32>} : memref<12288xi32, #tpu.memory_space<vmem>>, vector<16xi32>,
      %add3A_166 = arith.constant 786432 : i32
      %add3A_167 = vector.broadcast %add3A_166 : i32 to vector<16xi32>
      %add3A_168 = arith.addi %get3A_154, %add3A_167 : vector<16xi32>
      %mul3A_169 = arith.constant 16 : i32
      %mul3A_170 = arith.muli %scan3A_98, %mul3A_169 : i32
      %add3A_171 = arith.constant 8192 : i32
      %add3A_172 = arith.addi %add3A_171, %mul3A_170 : i32
      %swap3A_173 = arith.index_cast %add3A_172 : i32 to index
      %swap3A_174 = tpu.vector_load %arg9[%swap3A_173] {strides = array<i32>} : memref<12288xi32, #tpu.memory_space<vmem>>, vector<16xi32>,
      %swap3A_175 = vector.shape_cast %swap3A_174 : vector<16xi32> to vector<16xi32>
      %swap3A_176 = vector.shape_cast %add3A_168 : vector<16xi32> to vector<16xi32>
      tpu.vector_store %arg9[%swap3A_173], %swap3A_176 {strides = array<i32>} : memref<12288xi32, #tpu.memory_space<vmem>>, vector<16xi32>,
      %add3A_177 = arith.constant 983040 : i32
      %add3A_178 = vector.broadcast %add3A_177 : i32 to vector<16xi32>
      %add3A_179 = arith.addi %get3A_154, %add3A_178 : vector<16xi32>
      %mul3A_180 = arith.constant 16 : i32
      %mul3A_181 = arith.muli %scan3A_98, %mul3A_180 : i32
      %add3A_182 = arith.constant 9728 : i32
      %add3A_183 = arith.addi %add3A_182, %mul3A_181 : i32
      %swap3A_184 = arith.index_cast %add3A_183 : i32 to index
      %swap3A_185 = tpu.vector_load %arg9[%swap3A_184] {strides = array<i32>} : memref<12288xi32, #tpu.memory_space<vmem>>, vector<16xi32>,
      %swap3A_186 = vector.shape_cast %swap3A_185 : vector<16xi32> to vector<16xi32>
      %swap3A_187 = vector.shape_cast %add3A_179 : vector<16xi32> to vector<16xi32>
      tpu.vector_store %arg9[%swap3A_184], %swap3A_187 {strides = array<i32>} : memref<12288xi32, #tpu.memory_space<vmem>>, vector<16xi32>,
      %add3A_188 = arith.constant 1179648 : i32
      %add3A_189 = vector.broadcast %add3A_188 : i32 to vector<16xi32>
      %add3A_190 = arith.addi %get3A_154, %add3A_189 : vector<16xi32>
      %mul3A_191 = arith.constant 16 : i32
      %mul3A_192 = arith.muli %scan3A_98, %mul3A_191 : i32
      %add3A_193 = arith.constant 11264 : i32
      %add3A_194 = arith.addi %add3A_193, %mul3A_192 : i32
      %swap3A_195 = arith.index_cast %add3A_194 : i32 to index
      %swap3A_196 = tpu.vector_load %arg9[%swap3A_195] {strides = array<i32>} : memref<12288xi32, #tpu.memory_space<vmem>>, vector<16xi32>,
      %swap3A_197 = vector.shape_cast %swap3A_196 : vector<16xi32> to vector<16xi32>
      %swap3A_198 = vector.shape_cast %add3A_190 : vector<16xi32> to vector<16xi32>
      tpu.vector_store %arg9[%swap3A_195], %swap3A_198 {strides = array<i32>} : memref<12288xi32, #tpu.memory_space<vmem>>, vector<16xi32>,
      %mul3A_199 = arith.constant 16 : i32
      %mul3A_200 = arith.muli %scan3A_98, %mul3A_199 : i32
      %add3A_201 = arith.constant 2560 : i32
      %add3A_202 = arith.addi %add3A_201, %mul3A_200 : i32
      %get3A_203 = arith.index_cast %add3A_202 : i32 to index
      %get3A_204 = tpu.vector_load %arg8[%get3A_203] {strides = array<i32>} : memref<3072xi32, #tpu.memory_space<vmem>>, vector<16xi32>,
      %get3A_205 = vector.shape_cast %get3A_204 : vector<16xi32> to vector<16xi32>
      %add3A_206 = arith.constant 589824 : i32
      %add3A_207 = vector.broadcast %add3A_206 : i32 to vector<16xi32>
      %add3A_208 = arith.addi %get3A_205, %add3A_207 : vector<16xi32>
      %mul3A_209 = arith.constant 16 : i32
      %mul3A_210 = arith.muli %scan3A_98, %mul3A_209 : i32
      %add3A_211 = arith.constant 7168 : i32
      %add3A_212 = arith.addi %add3A_211, %mul3A_210 : i32
      %swap3A_213 = arith.index_cast %add3A_212 : i32 to index
      %swap3A_214 = tpu.vector_load %arg9[%swap3A_213] {strides = array<i32>} : memref<12288xi32, #tpu.memory_space<vmem>>, vector<16xi32>,
      %swap3A_215 = vector.shape_cast %swap3A_214 : vector<16xi32> to vector<16xi32>
      %swap3A_216 = vector.shape_cast %add3A_208 : vector<16xi32> to vector<16xi32>
      tpu.vector_store %arg9[%swap3A_213], %swap3A_216 {strides = array<i32>} : memref<12288xi32, #tpu.memory_space<vmem>>, vector<16xi32>,
      %add3A_217 = arith.constant 786432 : i32
      %add3A_218 = vector.broadcast %add3A_217 : i32 to vector<16xi32>
      %add3A_219 = arith.addi %get3A_205, %add3A_218 : vector<16xi32>
      %mul3A_220 = arith.constant 16 : i32
      %mul3A_221 = arith.muli %scan3A_98, %mul3A_220 : i32
      %add3A_222 = arith.constant 8704 : i32
      %add3A_223 = arith.addi %add3A_222, %mul3A_221 : i32
      %swap3A_224 = arith.index_cast %add3A_223 : i32 to index
      %swap3A_225 = tpu.vector_load %arg9[%swap3A_224] {strides = array<i32>} : memref<12288xi32, #tpu.memory_space<vmem>>, vector<16xi32>,
      %swap3A_226 = vector.shape_cast %swap3A_225 : vector<16xi32> to vector<16xi32>
      %swap3A_227 = vector.shape_cast %add3A_219 : vector<16xi32> to vector<16xi32>
      tpu.vector_store %arg9[%swap3A_224], %swap3A_227 {strides = array<i32>} : memref<12288xi32, #tpu.memory_space<vmem>>, vector<16xi32>,
      %add3A_228 = arith.constant 983040 : i32
      %add3A_229 = vector.broadcast %add3A_228 : i32 to vector<16xi32>
      %add3A_230 = arith.addi %get3A_205, %add3A_229 : vector<16xi32>
      %mul3A_231 = arith.constant 16 : i32
      %mul3A_232 = arith.muli %scan3A_98, %mul3A_231 : i32
      %add3A_233 = arith.constant 10240 : i32
      %add3A_234 = arith.addi %add3A_233, %mul3A_232 : i32
      %swap3A_235 = arith.index_cast %add3A_234 : i32 to index
      %swap3A_236 = tpu.vector_load %arg9[%swap3A_235] {strides = array<i32>} : memref<12288xi32, #tpu.memory_space<vmem>>, vector<16xi32>,
      %swap3A_237 = vector.shape_cast %swap3A_236 : vector<16xi32> to vector<16xi32>
      %swap3A_238 = vector.shape_cast %add3A_230 : vector<16xi32> to vector<16xi32>
      tpu.vector_store %arg9[%swap3A_235], %swap3A_238 {strides = array<i32>} : memref<12288xi32, #tpu.memory_space<vmem>>, vector<16xi32>,
      %add3A_239 = arith.constant 1179648 : i32
      %add3A_240 = vector.broadcast %add3A_239 : i32 to vector<16xi32>
      %add3A_241 = arith.addi %get3A_205, %add3A_240 : vector<16xi32>
      %mul3A_242 = arith.constant 16 : i32
      %mul3A_243 = arith.muli %scan3A_98, %mul3A_242 : i32
      %add3A_244 = arith.constant 11776 : i32
      %add3A_245 = arith.addi %add3A_244, %mul3A_243 : i32
      %swap3A_246 = arith.index_cast %add3A_245 : i32 to index
      %swap3A_247 = tpu.vector_load %arg9[%swap3A_246] {strides = array<i32>} : memref<12288xi32, #tpu.memory_space<vmem>>, vector<16xi32>,
      %swap3A_248 = vector.shape_cast %swap3A_247 : vector<16xi32> to vector<16xi32>
      %swap3A_249 = vector.shape_cast %add3A_241 : vector<16xi32> to vector<16xi32>
      tpu.vector_store %arg9[%swap3A_246], %swap3A_249 {strides = array<i32>} : memref<12288xi32, #tpu.memory_space<vmem>>, vector<16xi32>,
    }
    %scan3A_49 = arith.constant 32 : i32
    %dma_start3A_50 = arith.constant 6144 : i32
    %dma_start3A_51 = tpu.memref_slice %arg10[%dma_start3A_50] : memref<12288xf32, #tpu.memory_space<vmem>> -> memref<3072xf32, #tpu.memory_space<vmem>>
    %dma_start3A_52 = arith.constant 6144 : i32
    %dma_start3A_53 = tpu.memref_slice %arg9[%dma_start3A_52] : memref<12288xi32, #tpu.memory_space<vmem>> -> memref<3072xi32, #tpu.memory_space<vmem>>
    %dma_start3A_54 = arith.constant 0 : i32
    %dma_start3A_55 = tpu.memref_slice %arg11[%dma_start3A_54] : memref<1572864xf32, #tpu.memory_space<vmem_shared>> -> memref<1572864xf32, #tpu.memory_space<vmem_shared>>
    tpu.enqueue_indirect_dma source(%dma_start3A_55 : memref<1572864xf32, #tpu.memory_space<vmem_shared>>) target(%dma_start3A_51 : memref<3072xf32, #tpu.memory_space<vmem>>) offsets(%dma_start3A_53 : memref<3072xi32, #tpu.memory_space<vmem>>) semaphore(%arg14 : memref<!tpu.dma_semaphore, #tpu.memory_space<semaphore_mem>>)
    %dma_start3A_56 = arith.constant 9216 : i32
    %dma_start3A_57 = tpu.memref_slice %arg10[%dma_start3A_56] : memref<12288xf32, #tpu.memory_space<vmem>> -> memref<3072xf32, #tpu.memory_space<vmem>>
    %dma_start3A_58 = arith.constant 9216 : i32
    %dma_start3A_59 = tpu.memref_slice %arg9[%dma_start3A_58] : memref<12288xi32, #tpu.memory_space<vmem>> -> memref<3072xi32, #tpu.memory_space<vmem>>
    %dma_start3A_60 = arith.constant 0 : i32
    %dma_start3A_61 = tpu.memref_slice %arg11[%dma_start3A_60] : memref<1572864xf32, #tpu.memory_space<vmem_shared>> -> memref<1572864xf32, #tpu.memory_space<vmem_shared>>
    tpu.enqueue_indirect_dma source(%dma_start3A_61 : memref<1572864xf32, #tpu.memory_space<vmem_shared>>) target(%dma_start3A_57 : memref<3072xf32, #tpu.memory_space<vmem>>) offsets(%dma_start3A_59 : memref<3072xi32, #tpu.memory_space<vmem>>) semaphore(%arg14 : memref<!tpu.dma_semaphore, #tpu.memory_space<semaphore_mem>>)
    %dma_start3A_62 = arith.constant 0 : i32
    %dma_start3A_63 = tpu.memref_slice %arg6[%add3A, %dma_start3A_62] : memref<32x3072xi32, #tpu.memory_space<hbm>> -> memref<1x3072xi32, #tpu.memory_space<hbm>>
    %dma_start3A_64 = tpu.memref_squeeze %dma_start3A_63 : memref<1x3072xi32, #tpu.memory_space<hbm>> -> memref<3072xi32, #tpu.memory_space<hbm>>
    %dma_start3A_65 = arith.constant 0 : i32
    %dma_start3A_66 = tpu.memref_slice %arg6[%add3A, %dma_start3A_65] : memref<32x3072xi32, #tpu.memory_space<hbm>> -> memref<1x3072xi32, #tpu.memory_space<hbm>>
    %dma_start3A_67 = tpu.memref_squeeze %dma_start3A_66 : memref<1x3072xi32, #tpu.memory_space<hbm>> -> memref<3072xi32, #tpu.memory_space<hbm>>
    tpu.enqueue_dma source(%arg8 : memref<3072xi32, #tpu.memory_space<vmem>>) target(%dma_start3A_67 : memref<3072xi32, #tpu.memory_space<hbm>>) target_semaphore(%arg15 : memref<!tpu.dma_semaphore, #tpu.memory_space<semaphore_mem>>)
    %dma_wait3A_68 = arith.constant 0 : i32
    %dma_wait3A_69 = tpu.memref_slice %arg10[%dma_wait3A_68] : memref<12288xf32, #tpu.memory_space<vmem>> -> memref<3072xf32, #tpu.memory_space<vmem>>
    %dma_wait3A_70 = arith.constant 0 : i32
    %dma_wait3A_71 = tpu.memref_slice %arg9[%dma_wait3A_70] : memref<12288xi32, #tpu.memory_space<vmem>> -> memref<3072xi32, #tpu.memory_space<vmem>>
    %dma_wait3A_72 = arith.constant 0 : i32
    %dma_wait3A_73 = tpu.memref_slice %arg11[%dma_wait3A_72] : memref<1572864xf32, #tpu.memory_space<vmem_shared>> -> memref<1572864xf32, #tpu.memory_space<vmem_shared>>
    tpu.wait_indirect_dma semaphore(%arg14 : memref<!tpu.dma_semaphore, #tpu.memory_space<semaphore_mem>>) src(%dma_wait3A_73 : memref<1572864xf32, #tpu.memory_space<vmem_shared>>) dst(%dma_wait3A_69 : memref<3072xf32, #tpu.memory_space<vmem>>)
    %dma_wait3A_74 = arith.constant 3072 : i32
    %dma_wait3A_75 = tpu.memref_slice %arg10[%dma_wait3A_74] : memref<12288xf32, #tpu.memory_space<vmem>> -> memref<3072xf32, #tpu.memory_space<vmem>>
    %dma_wait3A_76 = arith.constant 3072 : i32
    %dma_wait3A_77 = tpu.memref_slice %arg9[%dma_wait3A_76] : memref<12288xi32, #tpu.memory_space<vmem>> -> memref<3072xi32, #tpu.memory_space<vmem>>
    %dma_wait3A_78 = arith.constant 0 : i32
    %dma_wait3A_79 = tpu.memref_slice %arg11[%dma_wait3A_78] : memref<1572864xf32, #tpu.memory_space<vmem_shared>> -> memref<1572864xf32, #tpu.memory_space<vmem_shared>>
    tpu.wait_indirect_dma semaphore(%arg14 : memref<!tpu.dma_semaphore, #tpu.memory_space<semaphore_mem>>) src(%dma_wait3A_79 : memref<1572864xf32, #tpu.memory_space<vmem_shared>>) dst(%dma_wait3A_75 : memref<3072xf32, #tpu.memory_space<vmem>>)
    %dma_wait3A_80 = arith.constant 6144 : i32
    %dma_wait3A_81 = tpu.memref_slice %arg10[%dma_wait3A_80] : memref<12288xf32, #tpu.memory_space<vmem>> -> memref<3072xf32, #tpu.memory_space<vmem>>
    %dma_wait3A_82 = arith.constant 6144 : i32
    %dma_wait3A_83 = tpu.memref_slice %arg9[%dma_wait3A_82] : memref<12288xi32, #tpu.memory_space<vmem>> -> memref<3072xi32, #tpu.memory_space<vmem>>
    %dma_wait3A_84 = arith.constant 0 : i32
    %dma_wait3A_85 = tpu.memref_slice %arg11[%dma_wait3A_84] : memref<1572864xf32, #tpu.memory_space<vmem_shared>> -> memref<1572864xf32, #tpu.memory_space<vmem_shared>>
    tpu.wait_indirect_dma semaphore(%arg14 : memref<!tpu.dma_semaphore, #tpu.memory_space<semaphore_mem>>) src(%dma_wait3A_85 : memref<1572864xf32, #tpu.memory_space<vmem_shared>>) dst(%dma_wait3A_81 : memref<3072xf32, #tpu.memory_space<vmem>>)
    %dma_wait3A_86 = arith.constant 9216 : i32
    %dma_wait3A_87 = tpu.memref_slice %arg10[%dma_wait3A_86] : memref<12288xf32, #tpu.memory_space<vmem>> -> memref<3072xf32, #tpu.memory_space<vmem>>
    %dma_wait3A_88 = arith.constant 9216 : i32
    %dma_wait3A_89 = tpu.memref_slice %arg9[%dma_wait3A_88] : memref<12288xi32, #tpu.memory_space<vmem>> -> memref<3072xi32, #tpu.memory_space<vmem>>
    %dma_wait3A_90 = arith.constant 0 : i32
    %dma_wait3A_91 = tpu.memref_slice %arg11[%dma_wait3A_90] : memref<1572864xf32, #tpu.memory_space<vmem_shared>> -> memref<1572864xf32, #tpu.memory_space<vmem_shared>>
    tpu.wait_indirect_dma semaphore(%arg14 : memref<!tpu.dma_semaphore, #tpu.memory_space<semaphore_mem>>) src(%dma_wait3A_91 : memref<1572864xf32, #tpu.memory_space<vmem_shared>>) dst(%dma_wait3A_87 : memref<3072xf32, #tpu.memory_space<vmem>>)
    "tpu.region"() ({
      %run_scoped3A = tpu.sem_alloc : memref<!tpu.dma_semaphore, #tpu.memory_space<semaphore_mem>>
      %dma_start3A_98 = arith.constant 0 : i32
      %dma_start3A_99 = tpu.memref_slice %arg5[%add3A, %dma_start3A_98] : memref<32x12288xf32, #tpu.memory_space<hbm>> -> memref<1x12288xf32, #tpu.memory_space<hbm>>
      %dma_start3A_100 = tpu.memref_squeeze %dma_start3A_99 : memref<1x12288xf32, #tpu.memory_space<hbm>> -> memref<12288xf32, #tpu.memory_space<hbm>>
      %dma_start3A_101 = arith.constant 0 : i32
      %dma_start3A_102 = tpu.memref_slice %arg5[%add3A, %dma_start3A_101] : memref<32x12288xf32, #tpu.memory_space<hbm>> -> memref<1x12288xf32, #tpu.memory_space<hbm>>
      %dma_start3A_103 = tpu.memref_squeeze %dma_start3A_102 : memref<1x12288xf32, #tpu.memory_space<hbm>> -> memref<12288xf32, #tpu.memory_space<hbm>>
      tpu.enqueue_dma source(%arg10 : memref<12288xf32, #tpu.memory_space<vmem>>) target(%dma_start3A_103 : memref<12288xf32, #tpu.memory_space<hbm>>) target_semaphore(%run_scoped3A : memref<!tpu.dma_semaphore, #tpu.memory_space<semaphore_mem>>)
      %dma_wait3A_104 = arith.constant 0 : i32
      %dma_wait3A_105 = tpu.memref_slice %arg5[%add3A, %dma_wait3A_104] : memref<32x12288xf32, #tpu.memory_space<hbm>> -> memref<1x12288xf32, #tpu.memory_space<hbm>>
      %dma_wait3A_106 = tpu.memref_squeeze %dma_wait3A_105 : memref<1x12288xf32, #tpu.memory_space<hbm>> -> memref<12288xf32, #tpu.memory_space<hbm>>
      %dma_wait3A_107 = arith.constant 0 : i32
      %dma_wait3A_108 = tpu.memref_slice %arg5[%add3A, %dma_wait3A_107] : memref<32x12288xf32, #tpu.memory_space<hbm>> -> memref<1x12288xf32, #tpu.memory_space<hbm>>
      %dma_wait3A_109 = tpu.memref_squeeze %dma_wait3A_108 : memref<1x12288xf32, #tpu.memory_space<hbm>> -> memref<12288xf32, #tpu.memory_space<hbm>>
      tpu.wait_dma2 semaphore(%run_scoped3A : memref<!tpu.dma_semaphore, #tpu.memory_space<semaphore_mem>>) src(%arg10 : memref<12288xf32, #tpu.memory_space<vmem>>) dst(%dma_wait3A_109 : memref<12288xf32, #tpu.memory_space<hbm>>)
      tpu.yield
    }) : () -> ()
    %dma_wait3A_92 = arith.constant 0 : i32
    %dma_wait3A_93 = tpu.memref_slice %arg6[%add3A, %dma_wait3A_92] : memref<32x3072xi32, #tpu.memory_space<hbm>> -> memref<1x3072xi32, #tpu.memory_space<hbm>>
    %dma_wait3A_94 = tpu.memref_squeeze %dma_wait3A_93 : memref<1x3072xi32, #tpu.memory_space<hbm>> -> memref<3072xi32, #tpu.memory_space<hbm>>
    %dma_wait3A_95 = arith.constant 0 : i32
    %dma_wait3A_96 = tpu.memref_slice %arg6[%add3A, %dma_wait3A_95] : memref<32x3072xi32, #tpu.memory_space<hbm>> -> memref<1x3072xi32, #tpu.memory_space<hbm>>
    %dma_wait3A_97 = tpu.memref_squeeze %dma_wait3A_96 : memref<1x3072xi32, #tpu.memory_space<hbm>> -> memref<3072xi32, #tpu.memory_space<hbm>>
    tpu.wait_dma2 semaphore(%arg15 : memref<!tpu.dma_semaphore, #tpu.memory_space<semaphore_mem>>) src(%arg8 : memref<3072xi32, #tpu.memory_space<vmem>>) dst(%dma_wait3A_97 : memref<3072xi32, #tpu.memory_space<hbm>>)
    return
  }
}

module attributes {stable_mosaic.version = 14 : i64} {
  func.func @_prepack_body(%arg0: memref<4x782x128xi32, #tpu.memory_space<vmem>>, %arg1: memref<2x782x128xi32, #tpu.memory_space<vmem>>) attributes {dimension_semantics = [], scalar_prefetch = 0 : i64, scratch_operands = 0 : i64, tpu.core_type = #tpu.core_type<tc>} {
    %get3A = arith.constant 0 : index
    %get3A_0 = arith.constant 0 : index
    %get3A_1 = arith.constant 0 : index
    %get3A_2 = vector.load %arg0[%get3A, %get3A_0, %get3A_1] : memref<4x782x128xi32, #tpu.memory_space<vmem>>, vector<1x782x128xi32>
    %get3A_3 = vector.shape_cast %get3A_2 : vector<1x782x128xi32> to vector<782x128xi32>
    %get3A_4 = arith.constant 1 : index
    %get3A_5 = arith.constant 0 : index
    %get3A_6 = arith.constant 0 : index
    %get3A_7 = vector.load %arg0[%get3A_4, %get3A_5, %get3A_6] : memref<4x782x128xi32, #tpu.memory_space<vmem>>, vector<1x782x128xi32>
    %get3A_8 = vector.shape_cast %get3A_7 : vector<1x782x128xi32> to vector<782x128xi32>
    %mul3A = arith.constant 512 : i32
    %mul3A_9 = vector.broadcast %mul3A : i32 to vector<782x128xi32>
    %mul3A_10 = arith.muli %get3A_3, %mul3A_9 : vector<782x128xi32>
    %add3A = arith.addi %mul3A_10, %get3A_8 : vector<782x128xi32>
    %add3A_11 = arith.constant 0 : i32
    %add3A_12 = vector.broadcast %add3A_11 : i32 to vector<782x128xi32>
    %add3A_13 = arith.addi %add3A, %add3A_12 : vector<782x128xi32>
    %swap3A = arith.constant 0 : index
    %swap3A_14 = arith.constant 0 : index
    %swap3A_15 = arith.constant 0 : index
    %swap3A_16 = vector.load %arg1[%swap3A, %swap3A_14, %swap3A_15] : memref<2x782x128xi32, #tpu.memory_space<vmem>>, vector<1x782x128xi32>
    %swap3A_17 = vector.shape_cast %swap3A_16 : vector<1x782x128xi32> to vector<782x128xi32>
    %swap3A_18 = vector.shape_cast %add3A_13 : vector<782x128xi32> to vector<1x782x128xi32>
    tpu.vector_store %arg1[%swap3A, %swap3A_14, %swap3A_15], %swap3A_18 {strides = array<i32>} : memref<2x782x128xi32, #tpu.memory_space<vmem>>, vector<1x782x128xi32>,
    %get3A_19 = arith.constant 2 : index
    %get3A_20 = arith.constant 0 : index
    %get3A_21 = arith.constant 0 : index
    %get3A_22 = vector.load %arg0[%get3A_19, %get3A_20, %get3A_21] : memref<4x782x128xi32, #tpu.memory_space<vmem>>, vector<1x782x128xi32>
    %get3A_23 = vector.shape_cast %get3A_22 : vector<1x782x128xi32> to vector<782x128xi32>
    %get3A_24 = arith.constant 3 : index
    %get3A_25 = arith.constant 0 : index
    %get3A_26 = arith.constant 0 : index
    %get3A_27 = vector.load %arg0[%get3A_24, %get3A_25, %get3A_26] : memref<4x782x128xi32, #tpu.memory_space<vmem>>, vector<1x782x128xi32>
    %get3A_28 = vector.shape_cast %get3A_27 : vector<1x782x128xi32> to vector<782x128xi32>
    %mul3A_29 = arith.constant 512 : i32
    %mul3A_30 = vector.broadcast %mul3A_29 : i32 to vector<782x128xi32>
    %mul3A_31 = arith.muli %get3A_23, %mul3A_30 : vector<782x128xi32>
    %add3A_32 = arith.addi %mul3A_31, %get3A_28 : vector<782x128xi32>
    %add3A_33 = arith.constant 196608 : i32
    %add3A_34 = vector.broadcast %add3A_33 : i32 to vector<782x128xi32>
    %add3A_35 = arith.addi %add3A_32, %add3A_34 : vector<782x128xi32>
    %swap3A_36 = arith.constant 1 : index
    %swap3A_37 = arith.constant 0 : index
    %swap3A_38 = arith.constant 0 : index
    %swap3A_39 = vector.load %arg1[%swap3A_36, %swap3A_37, %swap3A_38] : memref<2x782x128xi32, #tpu.memory_space<vmem>>, vector<1x782x128xi32>
    %swap3A_40 = vector.shape_cast %swap3A_39 : vector<1x782x128xi32> to vector<782x128xi32>
    %swap3A_41 = vector.shape_cast %add3A_35 : vector<782x128xi32> to vector<1x782x128xi32>
    tpu.vector_store %arg1[%swap3A_36, %swap3A_37, %swap3A_38], %swap3A_41 {strides = array<i32>} : memref<2x782x128xi32, #tpu.memory_space<vmem>>, vector<1x782x128xi32>,
    return
  }
}

module attributes {stable_mosaic.version = 14 : i64} {
  func.func @_tc_loss_body(%arg0: memref<32x24x512xf32, #tpu.memory_space<vmem>>, %arg1: memref<32x6x512xi32, #tpu.memory_space<vmem>>, %arg2: memref<1x1xf32, #tpu.memory_space<smem>>) attributes {dimension_semantics = [], scalar_prefetch = 0 : i64, scratch_operands = 0 : i64, tpu.core_type = #tpu.core_type<tc>} {
    %get3A = arith.constant 0 : index
    %get3A_0 = arith.constant 0 : index
    %get3A_1 = arith.constant 0 : index
    %get3A_2 = vector.load %arg1[%get3A, %get3A_0, %get3A_1] : memref<32x6x512xi32, #tpu.memory_space<vmem>>, vector<32x1x512xi32>
    %get3A_3 = vector.shape_cast %get3A_2 : vector<32x1x512xi32> to vector<32x512xi32>
    %sub3A = arith.constant 0 : i32
    %sub3A_4 = vector.broadcast %sub3A : i32 to vector<32x512xi32>
    %sub3A_5 = arith.subi %get3A_3, %sub3A_4 : vector<32x512xi32>
    %shift_right_arithmetic3A = arith.constant 9 : i32
    %shift_right_arithmetic3A_6 = vector.broadcast %shift_right_arithmetic3A : i32 to vector<32x512xi32>
    %shift_right_arithmetic3A_7 = arith.shrsi %sub3A_5, %shift_right_arithmetic3A_6 : vector<32x512xi32>
    %convert_element_type3A = arith.sitofp %shift_right_arithmetic3A_7 : vector<32x512xi32> to vector<32x512xf32>
    %sub3A_8 = arith.constant 1.920000e+02 : f32
    %sub3A_9 = vector.broadcast %sub3A_8 : f32 to vector<32x512xf32>
    %sub3A_10 = arith.subf %convert_element_type3A, %sub3A_9 : vector<32x512xf32>
    %and3A = arith.constant 511 : i32
    %and3A_11 = vector.broadcast %and3A : i32 to vector<32x512xi32>
    %and3A_12 = arith.andi %sub3A_5, %and3A_11 : vector<32x512xi32>
    %convert_element_type3A_13 = arith.sitofp %and3A_12 : vector<32x512xi32> to vector<32x512xf32>
    %sub3A_14 = arith.constant 2.560000e+02 : f32
    %sub3A_15 = vector.broadcast %sub3A_14 : f32 to vector<32x512xf32>
    %sub3A_16 = arith.subf %convert_element_type3A_13, %sub3A_15 : vector<32x512xf32>
    %get3A_17 = arith.constant 0 : index
    %get3A_18 = arith.constant 1 : index
    %get3A_19 = arith.constant 0 : index
    %get3A_20 = vector.load %arg1[%get3A_17, %get3A_18, %get3A_19] : memref<32x6x512xi32, #tpu.memory_space<vmem>>, vector<32x1x512xi32>
    %get3A_21 = vector.shape_cast %get3A_20 : vector<32x1x512xi32> to vector<32x512xi32>
    %sub3A_22 = arith.constant 0 : i32
    %sub3A_23 = vector.broadcast %sub3A_22 : i32 to vector<32x512xi32>
    %sub3A_24 = arith.subi %get3A_21, %sub3A_23 : vector<32x512xi32>
    %shift_right_arithmetic3A_25 = arith.constant 9 : i32
    %shift_right_arithmetic3A_26 = vector.broadcast %shift_right_arithmetic3A_25 : i32 to vector<32x512xi32>
    %shift_right_arithmetic3A_27 = arith.shrsi %sub3A_24, %shift_right_arithmetic3A_26 : vector<32x512xi32>
    %convert_element_type3A_28 = arith.sitofp %shift_right_arithmetic3A_27 : vector<32x512xi32> to vector<32x512xf32>
    %sub3A_29 = arith.constant 1.920000e+02 : f32
    %sub3A_30 = vector.broadcast %sub3A_29 : f32 to vector<32x512xf32>
    %sub3A_31 = arith.subf %convert_element_type3A_28, %sub3A_30 : vector<32x512xf32>
    %and3A_32 = arith.constant 511 : i32
    %and3A_33 = vector.broadcast %and3A_32 : i32 to vector<32x512xi32>
    %and3A_34 = arith.andi %sub3A_24, %and3A_33 : vector<32x512xi32>
    %convert_element_type3A_35 = arith.sitofp %and3A_34 : vector<32x512xi32> to vector<32x512xf32>
    %sub3A_36 = arith.constant 2.560000e+02 : f32
    %sub3A_37 = vector.broadcast %sub3A_36 : f32 to vector<32x512xf32>
    %sub3A_38 = arith.subf %convert_element_type3A_35, %sub3A_37 : vector<32x512xf32>
    %get3A_39 = arith.constant 0 : index
    %get3A_40 = arith.constant 2 : index
    %get3A_41 = arith.constant 0 : index
    %get3A_42 = vector.load %arg1[%get3A_39, %get3A_40, %get3A_41] : memref<32x6x512xi32, #tpu.memory_space<vmem>>, vector<32x1x512xi32>
    %get3A_43 = vector.shape_cast %get3A_42 : vector<32x1x512xi32> to vector<32x512xi32>
    %sub3A_44 = arith.constant 0 : i32
    %sub3A_45 = vector.broadcast %sub3A_44 : i32 to vector<32x512xi32>
    %sub3A_46 = arith.subi %get3A_43, %sub3A_45 : vector<32x512xi32>
    %shift_right_arithmetic3A_47 = arith.constant 9 : i32
    %shift_right_arithmetic3A_48 = vector.broadcast %shift_right_arithmetic3A_47 : i32 to vector<32x512xi32>
    %shift_right_arithmetic3A_49 = arith.shrsi %sub3A_46, %shift_right_arithmetic3A_48 : vector<32x512xi32>
    %convert_element_type3A_50 = arith.sitofp %shift_right_arithmetic3A_49 : vector<32x512xi32> to vector<32x512xf32>
    %sub3A_51 = arith.constant 1.920000e+02 : f32
    %sub3A_52 = vector.broadcast %sub3A_51 : f32 to vector<32x512xf32>
    %sub3A_53 = arith.subf %convert_element_type3A_50, %sub3A_52 : vector<32x512xf32>
    %and3A_54 = arith.constant 511 : i32
    %and3A_55 = vector.broadcast %and3A_54 : i32 to vector<32x512xi32>
    %and3A_56 = arith.andi %sub3A_46, %and3A_55 : vector<32x512xi32>
    %convert_element_type3A_57 = arith.sitofp %and3A_56 : vector<32x512xi32> to vector<32x512xf32>
    %sub3A_58 = arith.constant 2.560000e+02 : f32
    %sub3A_59 = vector.broadcast %sub3A_58 : f32 to vector<32x512xf32>
    %sub3A_60 = arith.subf %convert_element_type3A_57, %sub3A_59 : vector<32x512xf32>
    %get3A_61 = arith.constant 0 : index
    %get3A_62 = arith.constant 0 : index
    %get3A_63 = arith.constant 0 : index
    %get3A_64 = vector.load %arg0[%get3A_61, %get3A_62, %get3A_63] : memref<32x24x512xf32, #tpu.memory_space<vmem>>, vector<32x1x512xf32>
    %get3A_65 = vector.shape_cast %get3A_64 : vector<32x1x512xf32> to vector<32x512xf32>
    %abs3A = math.absf %get3A_65 : vector<32x512xf32>
    %mul3A = arith.mulf %sub3A_16, %abs3A : vector<32x512xf32>
    %mul3A_66 = arith.constant 1.927310e-03 : f32
    %mul3A_67 = vector.broadcast %mul3A_66 : f32 to vector<32x512xf32>
    %mul3A_68 = arith.mulf %mul3A, %mul3A_67 : vector<32x512xf32>
    %mul3A_69 = arith.mulf %sub3A_10, %abs3A : vector<32x512xf32>
    %mul3A_70 = arith.constant 0.0019250405 : f32
    %mul3A_71 = vector.broadcast %mul3A_70 : f32 to vector<32x512xf32>
    %mul3A_72 = arith.mulf %mul3A_69, %mul3A_71 : vector<32x512xf32>
    %get3A_73 = arith.constant 0 : index
    %get3A_74 = arith.constant 1 : index
    %get3A_75 = arith.constant 0 : index
    %get3A_76 = vector.load %arg0[%get3A_73, %get3A_74, %get3A_75] : memref<32x24x512xf32, #tpu.memory_space<vmem>>, vector<32x1x512xf32>
    %get3A_77 = vector.shape_cast %get3A_76 : vector<32x1x512xf32> to vector<32x512xf32>
    %abs3A_78 = math.absf %get3A_77 : vector<32x512xf32>
    %mul3A_79 = arith.mulf %sub3A_38, %abs3A_78 : vector<32x512xf32>
    %mul3A_80 = arith.constant 1.927310e-03 : f32
    %mul3A_81 = vector.broadcast %mul3A_80 : f32 to vector<32x512xf32>
    %mul3A_82 = arith.mulf %mul3A_79, %mul3A_81 : vector<32x512xf32>
    %mul3A_83 = arith.mulf %sub3A_31, %abs3A_78 : vector<32x512xf32>
    %mul3A_84 = arith.constant 0.0019250405 : f32
    %mul3A_85 = vector.broadcast %mul3A_84 : f32 to vector<32x512xf32>
    %mul3A_86 = arith.mulf %mul3A_83, %mul3A_85 : vector<32x512xf32>
    %get3A_87 = arith.constant 0 : index
    %get3A_88 = arith.constant 2 : index
    %get3A_89 = arith.constant 0 : index
    %get3A_90 = vector.load %arg0[%get3A_87, %get3A_88, %get3A_89] : memref<32x24x512xf32, #tpu.memory_space<vmem>>, vector<32x1x512xf32>
    %get3A_91 = vector.shape_cast %get3A_90 : vector<32x1x512xf32> to vector<32x512xf32>
    %abs3A_92 = math.absf %get3A_91 : vector<32x512xf32>
    %mul3A_93 = arith.mulf %sub3A_60, %abs3A_92 : vector<32x512xf32>
    %mul3A_94 = arith.constant 1.927310e-03 : f32
    %mul3A_95 = vector.broadcast %mul3A_94 : f32 to vector<32x512xf32>
    %mul3A_96 = arith.mulf %mul3A_93, %mul3A_95 : vector<32x512xf32>
    %mul3A_97 = arith.mulf %sub3A_53, %abs3A_92 : vector<32x512xf32>
    %mul3A_98 = arith.constant 0.0019250405 : f32
    %mul3A_99 = vector.broadcast %mul3A_98 : f32 to vector<32x512xf32>
    %mul3A_100 = arith.mulf %mul3A_97, %mul3A_99 : vector<32x512xf32>
    %sub3A_101 = arith.subf %mul3A_82, %mul3A_68 : vector<32x512xf32>
    %sub3A_102 = arith.subf %mul3A_86, %mul3A_72 : vector<32x512xf32>
    %sub3A_103 = arith.subf %get3A_77, %get3A_65 : vector<32x512xf32>
    %sub3A_104 = arith.subf %mul3A_96, %mul3A_68 : vector<32x512xf32>
    %sub3A_105 = arith.subf %mul3A_100, %mul3A_72 : vector<32x512xf32>
    %sub3A_106 = arith.subf %get3A_91, %get3A_65 : vector<32x512xf32>
    %mul3A_107 = arith.mulf %sub3A_102, %sub3A_106 : vector<32x512xf32>
    %mul3A_108 = arith.mulf %sub3A_103, %sub3A_105 : vector<32x512xf32>
    %sub3A_109 = arith.subf %mul3A_107, %mul3A_108 : vector<32x512xf32>
    %mul3A_110 = arith.mulf %sub3A_103, %sub3A_104 : vector<32x512xf32>
    %mul3A_111 = arith.mulf %sub3A_101, %sub3A_106 : vector<32x512xf32>
    %sub3A_112 = arith.subf %mul3A_110, %mul3A_111 : vector<32x512xf32>
    %mul3A_113 = arith.mulf %sub3A_101, %sub3A_105 : vector<32x512xf32>
    %mul3A_114 = arith.mulf %sub3A_102, %sub3A_104 : vector<32x512xf32>
    %sub3A_115 = arith.subf %mul3A_113, %mul3A_114 : vector<32x512xf32>
    %mul3A_116 = arith.mulf %sub3A_109, %sub3A_109 : vector<32x512xf32>
    %mul3A_117 = arith.mulf %sub3A_112, %sub3A_112 : vector<32x512xf32>
    %add3A = arith.addf %mul3A_116, %mul3A_117 : vector<32x512xf32>
    %mul3A_118 = arith.mulf %sub3A_115, %sub3A_115 : vector<32x512xf32>
    %add3A_119 = arith.addf %add3A, %mul3A_118 : vector<32x512xf32>
    %sqrt3A = math.sqrt %add3A_119 : vector<32x512xf32>
    %eq3A = arith.constant 0.000000e+00 : f32
    %eq3A_120 = vector.broadcast %eq3A : f32 to vector<32x512xf32>
    %eq3A_121 = arith.cmpf oeq, %sqrt3A, %eq3A_120 : vector<32x512xf32>
    %jit3A = arith.constant 0.00999999977 : f32
    %jit3A_122 = arith.constant 0.000000e+00 : f32
    %broadcast_in_dim3A = vector.broadcast %jit3A : f32 to vector<32x512xf32>
    %broadcast_in_dim3A_123 = vector.broadcast %jit3A_122 : f32 to vector<32x512xf32>
    %select_n3A = arith.select %eq3A_121, %broadcast_in_dim3A, %broadcast_in_dim3A_123 : vector<32x512xi1>, vector<32x512xf32>
    %add3A_124 = arith.addf %sqrt3A, %select_n3A : vector<32x512xf32>
    %div3A = arith.divf %sub3A_109, %add3A_124 : vector<32x512xf32>
    %div3A_125 = arith.divf %sub3A_112, %add3A_124 : vector<32x512xf32>
    %div3A_126 = arith.divf %sub3A_115, %add3A_124 : vector<32x512xf32>
    %get3A_127 = arith.constant 0 : index
    %get3A_128 = arith.constant 3 : index
    %get3A_129 = arith.constant 0 : index
    %get3A_130 = vector.load %arg0[%get3A_127, %get3A_128, %get3A_129] : memref<32x24x512xf32, #tpu.memory_space<vmem>>, vector<32x1x512xf32>
    %get3A_131 = vector.shape_cast %get3A_130 : vector<32x1x512xf32> to vector<32x512xf32>
    %abs3A_132 = math.absf %get3A_131 : vector<32x512xf32>
    %mul3A_133 = arith.mulf %sub3A_16, %abs3A_132 : vector<32x512xf32>
    %mul3A_134 = arith.constant 1.927310e-03 : f32
    %mul3A_135 = vector.broadcast %mul3A_134 : f32 to vector<32x512xf32>
    %mul3A_136 = arith.mulf %mul3A_133, %mul3A_135 : vector<32x512xf32>
    %mul3A_137 = arith.mulf %sub3A_10, %abs3A_132 : vector<32x512xf32>
    %mul3A_138 = arith.constant 0.0019250405 : f32
    %mul3A_139 = vector.broadcast %mul3A_138 : f32 to vector<32x512xf32>
    %mul3A_140 = arith.mulf %mul3A_137, %mul3A_139 : vector<32x512xf32>
    %get3A_141 = arith.constant 0 : index
    %get3A_142 = arith.constant 4 : index
    %get3A_143 = arith.constant 0 : index
    %get3A_144 = vector.load %arg0[%get3A_141, %get3A_142, %get3A_143] : memref<32x24x512xf32, #tpu.memory_space<vmem>>, vector<32x1x512xf32>
    %get3A_145 = vector.shape_cast %get3A_144 : vector<32x1x512xf32> to vector<32x512xf32>
    %abs3A_146 = math.absf %get3A_145 : vector<32x512xf32>
    %mul3A_147 = arith.mulf %sub3A_38, %abs3A_146 : vector<32x512xf32>
    %mul3A_148 = arith.constant 1.927310e-03 : f32
    %mul3A_149 = vector.broadcast %mul3A_148 : f32 to vector<32x512xf32>
    %mul3A_150 = arith.mulf %mul3A_147, %mul3A_149 : vector<32x512xf32>
    %mul3A_151 = arith.mulf %sub3A_31, %abs3A_146 : vector<32x512xf32>
    %mul3A_152 = arith.constant 0.0019250405 : f32
    %mul3A_153 = vector.broadcast %mul3A_152 : f32 to vector<32x512xf32>
    %mul3A_154 = arith.mulf %mul3A_151, %mul3A_153 : vector<32x512xf32>
    %get3A_155 = arith.constant 0 : index
    %get3A_156 = arith.constant 5 : index
    %get3A_157 = arith.constant 0 : index
    %get3A_158 = vector.load %arg0[%get3A_155, %get3A_156, %get3A_157] : memref<32x24x512xf32, #tpu.memory_space<vmem>>, vector<32x1x512xf32>
    %get3A_159 = vector.shape_cast %get3A_158 : vector<32x1x512xf32> to vector<32x512xf32>
    %abs3A_160 = math.absf %get3A_159 : vector<32x512xf32>
    %mul3A_161 = arith.mulf %sub3A_60, %abs3A_160 : vector<32x512xf32>
    %mul3A_162 = arith.constant 1.927310e-03 : f32
    %mul3A_163 = vector.broadcast %mul3A_162 : f32 to vector<32x512xf32>
    %mul3A_164 = arith.mulf %mul3A_161, %mul3A_163 : vector<32x512xf32>
    %mul3A_165 = arith.mulf %sub3A_53, %abs3A_160 : vector<32x512xf32>
    %mul3A_166 = arith.constant 0.0019250405 : f32
    %mul3A_167 = vector.broadcast %mul3A_166 : f32 to vector<32x512xf32>
    %mul3A_168 = arith.mulf %mul3A_165, %mul3A_167 : vector<32x512xf32>
    %sub3A_169 = arith.subf %mul3A_150, %mul3A_136 : vector<32x512xf32>
    %sub3A_170 = arith.subf %mul3A_154, %mul3A_140 : vector<32x512xf32>
    %sub3A_171 = arith.subf %get3A_145, %get3A_131 : vector<32x512xf32>
    %sub3A_172 = arith.subf %mul3A_164, %mul3A_136 : vector<32x512xf32>
    %sub3A_173 = arith.subf %mul3A_168, %mul3A_140 : vector<32x512xf32>
    %sub3A_174 = arith.subf %get3A_159, %get3A_131 : vector<32x512xf32>
    %mul3A_175 = arith.mulf %sub3A_170, %sub3A_174 : vector<32x512xf32>
    %mul3A_176 = arith.mulf %sub3A_171, %sub3A_173 : vector<32x512xf32>
    %sub3A_177 = arith.subf %mul3A_175, %mul3A_176 : vector<32x512xf32>
    %mul3A_178 = arith.mulf %sub3A_171, %sub3A_172 : vector<32x512xf32>
    %mul3A_179 = arith.mulf %sub3A_169, %sub3A_174 : vector<32x512xf32>
    %sub3A_180 = arith.subf %mul3A_178, %mul3A_179 : vector<32x512xf32>
    %mul3A_181 = arith.mulf %sub3A_169, %sub3A_173 : vector<32x512xf32>
    %mul3A_182 = arith.mulf %sub3A_170, %sub3A_172 : vector<32x512xf32>
    %sub3A_183 = arith.subf %mul3A_181, %mul3A_182 : vector<32x512xf32>
    %mul3A_184 = arith.mulf %sub3A_177, %sub3A_177 : vector<32x512xf32>
    %mul3A_185 = arith.mulf %sub3A_180, %sub3A_180 : vector<32x512xf32>
    %add3A_186 = arith.addf %mul3A_184, %mul3A_185 : vector<32x512xf32>
    %mul3A_187 = arith.mulf %sub3A_183, %sub3A_183 : vector<32x512xf32>
    %add3A_188 = arith.addf %add3A_186, %mul3A_187 : vector<32x512xf32>
    %sqrt3A_189 = math.sqrt %add3A_188 : vector<32x512xf32>
    %eq3A_190 = arith.constant 0.000000e+00 : f32
    %eq3A_191 = vector.broadcast %eq3A_190 : f32 to vector<32x512xf32>
    %eq3A_192 = arith.cmpf oeq, %sqrt3A_189, %eq3A_191 : vector<32x512xf32>
    %jit3A_193 = arith.constant 0.00999999977 : f32
    %jit3A_194 = arith.constant 0.000000e+00 : f32
    %broadcast_in_dim3A_195 = vector.broadcast %jit3A_193 : f32 to vector<32x512xf32>
    %broadcast_in_dim3A_196 = vector.broadcast %jit3A_194 : f32 to vector<32x512xf32>
    %select_n3A_197 = arith.select %eq3A_192, %broadcast_in_dim3A_195, %broadcast_in_dim3A_196 : vector<32x512xi1>, vector<32x512xf32>
    %add3A_198 = arith.addf %sqrt3A_189, %select_n3A_197 : vector<32x512xf32>
    %div3A_199 = arith.divf %sub3A_177, %add3A_198 : vector<32x512xf32>
    %div3A_200 = arith.divf %sub3A_180, %add3A_198 : vector<32x512xf32>
    %div3A_201 = arith.divf %sub3A_183, %add3A_198 : vector<32x512xf32>
    %get3A_202 = arith.constant 0 : index
    %get3A_203 = arith.constant 6 : index
    %get3A_204 = arith.constant 0 : index
    %get3A_205 = vector.load %arg0[%get3A_202, %get3A_203, %get3A_204] : memref<32x24x512xf32, #tpu.memory_space<vmem>>, vector<32x1x512xf32>
    %get3A_206 = vector.shape_cast %get3A_205 : vector<32x1x512xf32> to vector<32x512xf32>
    %abs3A_207 = math.absf %get3A_206 : vector<32x512xf32>
    %mul3A_208 = arith.mulf %sub3A_16, %abs3A_207 : vector<32x512xf32>
    %mul3A_209 = arith.constant 1.927310e-03 : f32
    %mul3A_210 = vector.broadcast %mul3A_209 : f32 to vector<32x512xf32>
    %mul3A_211 = arith.mulf %mul3A_208, %mul3A_210 : vector<32x512xf32>
    %mul3A_212 = arith.mulf %sub3A_10, %abs3A_207 : vector<32x512xf32>
    %mul3A_213 = arith.constant 0.0019250405 : f32
    %mul3A_214 = vector.broadcast %mul3A_213 : f32 to vector<32x512xf32>
    %mul3A_215 = arith.mulf %mul3A_212, %mul3A_214 : vector<32x512xf32>
    %get3A_216 = arith.constant 0 : index
    %get3A_217 = arith.constant 7 : index
    %get3A_218 = arith.constant 0 : index
    %get3A_219 = vector.load %arg0[%get3A_216, %get3A_217, %get3A_218] : memref<32x24x512xf32, #tpu.memory_space<vmem>>, vector<32x1x512xf32>
    %get3A_220 = vector.shape_cast %get3A_219 : vector<32x1x512xf32> to vector<32x512xf32>
    %abs3A_221 = math.absf %get3A_220 : vector<32x512xf32>
    %mul3A_222 = arith.mulf %sub3A_38, %abs3A_221 : vector<32x512xf32>
    %mul3A_223 = arith.constant 1.927310e-03 : f32
    %mul3A_224 = vector.broadcast %mul3A_223 : f32 to vector<32x512xf32>
    %mul3A_225 = arith.mulf %mul3A_222, %mul3A_224 : vector<32x512xf32>
    %mul3A_226 = arith.mulf %sub3A_31, %abs3A_221 : vector<32x512xf32>
    %mul3A_227 = arith.constant 0.0019250405 : f32
    %mul3A_228 = vector.broadcast %mul3A_227 : f32 to vector<32x512xf32>
    %mul3A_229 = arith.mulf %mul3A_226, %mul3A_228 : vector<32x512xf32>
    %get3A_230 = arith.constant 0 : index
    %get3A_231 = arith.constant 8 : index
    %get3A_232 = arith.constant 0 : index
    %get3A_233 = vector.load %arg0[%get3A_230, %get3A_231, %get3A_232] : memref<32x24x512xf32, #tpu.memory_space<vmem>>, vector<32x1x512xf32>
    %get3A_234 = vector.shape_cast %get3A_233 : vector<32x1x512xf32> to vector<32x512xf32>
    %abs3A_235 = math.absf %get3A_234 : vector<32x512xf32>
    %mul3A_236 = arith.mulf %sub3A_60, %abs3A_235 : vector<32x512xf32>
    %mul3A_237 = arith.constant 1.927310e-03 : f32
    %mul3A_238 = vector.broadcast %mul3A_237 : f32 to vector<32x512xf32>
    %mul3A_239 = arith.mulf %mul3A_236, %mul3A_238 : vector<32x512xf32>
    %mul3A_240 = arith.mulf %sub3A_53, %abs3A_235 : vector<32x512xf32>
    %mul3A_241 = arith.constant 0.0019250405 : f32
    %mul3A_242 = vector.broadcast %mul3A_241 : f32 to vector<32x512xf32>
    %mul3A_243 = arith.mulf %mul3A_240, %mul3A_242 : vector<32x512xf32>
    %sub3A_244 = arith.subf %mul3A_225, %mul3A_211 : vector<32x512xf32>
    %sub3A_245 = arith.subf %mul3A_229, %mul3A_215 : vector<32x512xf32>
    %sub3A_246 = arith.subf %get3A_220, %get3A_206 : vector<32x512xf32>
    %sub3A_247 = arith.subf %mul3A_239, %mul3A_211 : vector<32x512xf32>
    %sub3A_248 = arith.subf %mul3A_243, %mul3A_215 : vector<32x512xf32>
    %sub3A_249 = arith.subf %get3A_234, %get3A_206 : vector<32x512xf32>
    %mul3A_250 = arith.mulf %sub3A_245, %sub3A_249 : vector<32x512xf32>
    %mul3A_251 = arith.mulf %sub3A_246, %sub3A_248 : vector<32x512xf32>
    %sub3A_252 = arith.subf %mul3A_250, %mul3A_251 : vector<32x512xf32>
    %mul3A_253 = arith.mulf %sub3A_246, %sub3A_247 : vector<32x512xf32>
    %mul3A_254 = arith.mulf %sub3A_244, %sub3A_249 : vector<32x512xf32>
    %sub3A_255 = arith.subf %mul3A_253, %mul3A_254 : vector<32x512xf32>
    %mul3A_256 = arith.mulf %sub3A_244, %sub3A_248 : vector<32x512xf32>
    %mul3A_257 = arith.mulf %sub3A_245, %sub3A_247 : vector<32x512xf32>
    %sub3A_258 = arith.subf %mul3A_256, %mul3A_257 : vector<32x512xf32>
    %mul3A_259 = arith.mulf %sub3A_252, %sub3A_252 : vector<32x512xf32>
    %mul3A_260 = arith.mulf %sub3A_255, %sub3A_255 : vector<32x512xf32>
    %add3A_261 = arith.addf %mul3A_259, %mul3A_260 : vector<32x512xf32>
    %mul3A_262 = arith.mulf %sub3A_258, %sub3A_258 : vector<32x512xf32>
    %add3A_263 = arith.addf %add3A_261, %mul3A_262 : vector<32x512xf32>
    %sqrt3A_264 = math.sqrt %add3A_263 : vector<32x512xf32>
    %eq3A_265 = arith.constant 0.000000e+00 : f32
    %eq3A_266 = vector.broadcast %eq3A_265 : f32 to vector<32x512xf32>
    %eq3A_267 = arith.cmpf oeq, %sqrt3A_264, %eq3A_266 : vector<32x512xf32>
    %jit3A_268 = arith.constant 0.00999999977 : f32
    %jit3A_269 = arith.constant 0.000000e+00 : f32
    %broadcast_in_dim3A_270 = vector.broadcast %jit3A_268 : f32 to vector<32x512xf32>
    %broadcast_in_dim3A_271 = vector.broadcast %jit3A_269 : f32 to vector<32x512xf32>
    %select_n3A_272 = arith.select %eq3A_267, %broadcast_in_dim3A_270, %broadcast_in_dim3A_271 : vector<32x512xi1>, vector<32x512xf32>
    %add3A_273 = arith.addf %sqrt3A_264, %select_n3A_272 : vector<32x512xf32>
    %div3A_274 = arith.divf %sub3A_252, %add3A_273 : vector<32x512xf32>
    %div3A_275 = arith.divf %sub3A_255, %add3A_273 : vector<32x512xf32>
    %div3A_276 = arith.divf %sub3A_258, %add3A_273 : vector<32x512xf32>
    %get3A_277 = arith.constant 0 : index
    %get3A_278 = arith.constant 9 : index
    %get3A_279 = arith.constant 0 : index
    %get3A_280 = vector.load %arg0[%get3A_277, %get3A_278, %get3A_279] : memref<32x24x512xf32, #tpu.memory_space<vmem>>, vector<32x1x512xf32>
    %get3A_281 = vector.shape_cast %get3A_280 : vector<32x1x512xf32> to vector<32x512xf32>
    %abs3A_282 = math.absf %get3A_281 : vector<32x512xf32>
    %mul3A_283 = arith.mulf %sub3A_16, %abs3A_282 : vector<32x512xf32>
    %mul3A_284 = arith.constant 1.927310e-03 : f32
    %mul3A_285 = vector.broadcast %mul3A_284 : f32 to vector<32x512xf32>
    %mul3A_286 = arith.mulf %mul3A_283, %mul3A_285 : vector<32x512xf32>
    %mul3A_287 = arith.mulf %sub3A_10, %abs3A_282 : vector<32x512xf32>
    %mul3A_288 = arith.constant 0.0019250405 : f32
    %mul3A_289 = vector.broadcast %mul3A_288 : f32 to vector<32x512xf32>
    %mul3A_290 = arith.mulf %mul3A_287, %mul3A_289 : vector<32x512xf32>
    %get3A_291 = arith.constant 0 : index
    %get3A_292 = arith.constant 10 : index
    %get3A_293 = arith.constant 0 : index
    %get3A_294 = vector.load %arg0[%get3A_291, %get3A_292, %get3A_293] : memref<32x24x512xf32, #tpu.memory_space<vmem>>, vector<32x1x512xf32>
    %get3A_295 = vector.shape_cast %get3A_294 : vector<32x1x512xf32> to vector<32x512xf32>
    %abs3A_296 = math.absf %get3A_295 : vector<32x512xf32>
    %mul3A_297 = arith.mulf %sub3A_38, %abs3A_296 : vector<32x512xf32>
    %mul3A_298 = arith.constant 1.927310e-03 : f32
    %mul3A_299 = vector.broadcast %mul3A_298 : f32 to vector<32x512xf32>
    %mul3A_300 = arith.mulf %mul3A_297, %mul3A_299 : vector<32x512xf32>
    %mul3A_301 = arith.mulf %sub3A_31, %abs3A_296 : vector<32x512xf32>
    %mul3A_302 = arith.constant 0.0019250405 : f32
    %mul3A_303 = vector.broadcast %mul3A_302 : f32 to vector<32x512xf32>
    %mul3A_304 = arith.mulf %mul3A_301, %mul3A_303 : vector<32x512xf32>
    %get3A_305 = arith.constant 0 : index
    %get3A_306 = arith.constant 11 : index
    %get3A_307 = arith.constant 0 : index
    %get3A_308 = vector.load %arg0[%get3A_305, %get3A_306, %get3A_307] : memref<32x24x512xf32, #tpu.memory_space<vmem>>, vector<32x1x512xf32>
    %get3A_309 = vector.shape_cast %get3A_308 : vector<32x1x512xf32> to vector<32x512xf32>
    %abs3A_310 = math.absf %get3A_309 : vector<32x512xf32>
    %mul3A_311 = arith.mulf %sub3A_60, %abs3A_310 : vector<32x512xf32>
    %mul3A_312 = arith.constant 1.927310e-03 : f32
    %mul3A_313 = vector.broadcast %mul3A_312 : f32 to vector<32x512xf32>
    %mul3A_314 = arith.mulf %mul3A_311, %mul3A_313 : vector<32x512xf32>
    %mul3A_315 = arith.mulf %sub3A_53, %abs3A_310 : vector<32x512xf32>
    %mul3A_316 = arith.constant 0.0019250405 : f32
    %mul3A_317 = vector.broadcast %mul3A_316 : f32 to vector<32x512xf32>
    %mul3A_318 = arith.mulf %mul3A_315, %mul3A_317 : vector<32x512xf32>
    %sub3A_319 = arith.subf %mul3A_300, %mul3A_286 : vector<32x512xf32>
    %sub3A_320 = arith.subf %mul3A_304, %mul3A_290 : vector<32x512xf32>
    %sub3A_321 = arith.subf %get3A_295, %get3A_281 : vector<32x512xf32>
    %sub3A_322 = arith.subf %mul3A_314, %mul3A_286 : vector<32x512xf32>
    %sub3A_323 = arith.subf %mul3A_318, %mul3A_290 : vector<32x512xf32>
    %sub3A_324 = arith.subf %get3A_309, %get3A_281 : vector<32x512xf32>
    %mul3A_325 = arith.mulf %sub3A_320, %sub3A_324 : vector<32x512xf32>
    %mul3A_326 = arith.mulf %sub3A_321, %sub3A_323 : vector<32x512xf32>
    %sub3A_327 = arith.subf %mul3A_325, %mul3A_326 : vector<32x512xf32>
    %mul3A_328 = arith.mulf %sub3A_321, %sub3A_322 : vector<32x512xf32>
    %mul3A_329 = arith.mulf %sub3A_319, %sub3A_324 : vector<32x512xf32>
    %sub3A_330 = arith.subf %mul3A_328, %mul3A_329 : vector<32x512xf32>
    %mul3A_331 = arith.mulf %sub3A_319, %sub3A_323 : vector<32x512xf32>
    %mul3A_332 = arith.mulf %sub3A_320, %sub3A_322 : vector<32x512xf32>
    %sub3A_333 = arith.subf %mul3A_331, %mul3A_332 : vector<32x512xf32>
    %mul3A_334 = arith.mulf %sub3A_327, %sub3A_327 : vector<32x512xf32>
    %mul3A_335 = arith.mulf %sub3A_330, %sub3A_330 : vector<32x512xf32>
    %add3A_336 = arith.addf %mul3A_334, %mul3A_335 : vector<32x512xf32>
    %mul3A_337 = arith.mulf %sub3A_333, %sub3A_333 : vector<32x512xf32>
    %add3A_338 = arith.addf %add3A_336, %mul3A_337 : vector<32x512xf32>
    %sqrt3A_339 = math.sqrt %add3A_338 : vector<32x512xf32>
    %eq3A_340 = arith.constant 0.000000e+00 : f32
    %eq3A_341 = vector.broadcast %eq3A_340 : f32 to vector<32x512xf32>
    %eq3A_342 = arith.cmpf oeq, %sqrt3A_339, %eq3A_341 : vector<32x512xf32>
    %jit3A_343 = arith.constant 0.00999999977 : f32
    %jit3A_344 = arith.constant 0.000000e+00 : f32
    %broadcast_in_dim3A_345 = vector.broadcast %jit3A_343 : f32 to vector<32x512xf32>
    %broadcast_in_dim3A_346 = vector.broadcast %jit3A_344 : f32 to vector<32x512xf32>
    %select_n3A_347 = arith.select %eq3A_342, %broadcast_in_dim3A_345, %broadcast_in_dim3A_346 : vector<32x512xi1>, vector<32x512xf32>
    %add3A_348 = arith.addf %sqrt3A_339, %select_n3A_347 : vector<32x512xf32>
    %div3A_349 = arith.divf %sub3A_327, %add3A_348 : vector<32x512xf32>
    %div3A_350 = arith.divf %sub3A_330, %add3A_348 : vector<32x512xf32>
    %div3A_351 = arith.divf %sub3A_333, %add3A_348 : vector<32x512xf32>
    %get3A_352 = arith.constant 0 : index
    %get3A_353 = arith.constant 3 : index
    %get3A_354 = arith.constant 0 : index
    %get3A_355 = vector.load %arg1[%get3A_352, %get3A_353, %get3A_354] : memref<32x6x512xi32, #tpu.memory_space<vmem>>, vector<32x1x512xi32>
    %get3A_356 = vector.shape_cast %get3A_355 : vector<32x1x512xi32> to vector<32x512xi32>
    %sub3A_357 = arith.constant 196608 : i32
    %sub3A_358 = vector.broadcast %sub3A_357 : i32 to vector<32x512xi32>
    %sub3A_359 = arith.subi %get3A_356, %sub3A_358 : vector<32x512xi32>
    %shift_right_arithmetic3A_360 = arith.constant 9 : i32
    %shift_right_arithmetic3A_361 = vector.broadcast %shift_right_arithmetic3A_360 : i32 to vector<32x512xi32>
    %shift_right_arithmetic3A_362 = arith.shrsi %sub3A_359, %shift_right_arithmetic3A_361 : vector<32x512xi32>
    %convert_element_type3A_363 = arith.sitofp %shift_right_arithmetic3A_362 : vector<32x512xi32> to vector<32x512xf32>
    %sub3A_364 = arith.constant 1.920000e+02 : f32
    %sub3A_365 = vector.broadcast %sub3A_364 : f32 to vector<32x512xf32>
    %sub3A_366 = arith.subf %convert_element_type3A_363, %sub3A_365 : vector<32x512xf32>
    %and3A_367 = arith.constant 511 : i32
    %and3A_368 = vector.broadcast %and3A_367 : i32 to vector<32x512xi32>
    %and3A_369 = arith.andi %sub3A_359, %and3A_368 : vector<32x512xi32>
    %convert_element_type3A_370 = arith.sitofp %and3A_369 : vector<32x512xi32> to vector<32x512xf32>
    %sub3A_371 = arith.constant 2.560000e+02 : f32
    %sub3A_372 = vector.broadcast %sub3A_371 : f32 to vector<32x512xf32>
    %sub3A_373 = arith.subf %convert_element_type3A_370, %sub3A_372 : vector<32x512xf32>
    %get3A_374 = arith.constant 0 : index
    %get3A_375 = arith.constant 4 : index
    %get3A_376 = arith.constant 0 : index
    %get3A_377 = vector.load %arg1[%get3A_374, %get3A_375, %get3A_376] : memref<32x6x512xi32, #tpu.memory_space<vmem>>, vector<32x1x512xi32>
    %get3A_378 = vector.shape_cast %get3A_377 : vector<32x1x512xi32> to vector<32x512xi32>
    %sub3A_379 = arith.constant 196608 : i32
    %sub3A_380 = vector.broadcast %sub3A_379 : i32 to vector<32x512xi32>
    %sub3A_381 = arith.subi %get3A_378, %sub3A_380 : vector<32x512xi32>
    %shift_right_arithmetic3A_382 = arith.constant 9 : i32
    %shift_right_arithmetic3A_383 = vector.broadcast %shift_right_arithmetic3A_382 : i32 to vector<32x512xi32>
    %shift_right_arithmetic3A_384 = arith.shrsi %sub3A_381, %shift_right_arithmetic3A_383 : vector<32x512xi32>
    %convert_element_type3A_385 = arith.sitofp %shift_right_arithmetic3A_384 : vector<32x512xi32> to vector<32x512xf32>
    %sub3A_386 = arith.constant 1.920000e+02 : f32
    %sub3A_387 = vector.broadcast %sub3A_386 : f32 to vector<32x512xf32>
    %sub3A_388 = arith.subf %convert_element_type3A_385, %sub3A_387 : vector<32x512xf32>
    %and3A_389 = arith.constant 511 : i32
    %and3A_390 = vector.broadcast %and3A_389 : i32 to vector<32x512xi32>
    %and3A_391 = arith.andi %sub3A_381, %and3A_390 : vector<32x512xi32>
    %convert_element_type3A_392 = arith.sitofp %and3A_391 : vector<32x512xi32> to vector<32x512xf32>
    %sub3A_393 = arith.constant 2.560000e+02 : f32
    %sub3A_394 = vector.broadcast %sub3A_393 : f32 to vector<32x512xf32>
    %sub3A_395 = arith.subf %convert_element_type3A_392, %sub3A_394 : vector<32x512xf32>
    %get3A_396 = arith.constant 0 : index
    %get3A_397 = arith.constant 5 : index
    %get3A_398 = arith.constant 0 : index
    %get3A_399 = vector.load %arg1[%get3A_396, %get3A_397, %get3A_398] : memref<32x6x512xi32, #tpu.memory_space<vmem>>, vector<32x1x512xi32>
    %get3A_400 = vector.shape_cast %get3A_399 : vector<32x1x512xi32> to vector<32x512xi32>
    %sub3A_401 = arith.constant 196608 : i32
    %sub3A_402 = vector.broadcast %sub3A_401 : i32 to vector<32x512xi32>
    %sub3A_403 = arith.subi %get3A_400, %sub3A_402 : vector<32x512xi32>
    %shift_right_arithmetic3A_404 = arith.constant 9 : i32
    %shift_right_arithmetic3A_405 = vector.broadcast %shift_right_arithmetic3A_404 : i32 to vector<32x512xi32>
    %shift_right_arithmetic3A_406 = arith.shrsi %sub3A_403, %shift_right_arithmetic3A_405 : vector<32x512xi32>
    %convert_element_type3A_407 = arith.sitofp %shift_right_arithmetic3A_406 : vector<32x512xi32> to vector<32x512xf32>
    %sub3A_408 = arith.constant 1.920000e+02 : f32
    %sub3A_409 = vector.broadcast %sub3A_408 : f32 to vector<32x512xf32>
    %sub3A_410 = arith.subf %convert_element_type3A_407, %sub3A_409 : vector<32x512xf32>
    %and3A_411 = arith.constant 511 : i32
    %and3A_412 = vector.broadcast %and3A_411 : i32 to vector<32x512xi32>
    %and3A_413 = arith.andi %sub3A_403, %and3A_412 : vector<32x512xi32>
    %convert_element_type3A_414 = arith.sitofp %and3A_413 : vector<32x512xi32> to vector<32x512xf32>
    %sub3A_415 = arith.constant 2.560000e+02 : f32
    %sub3A_416 = vector.broadcast %sub3A_415 : f32 to vector<32x512xf32>
    %sub3A_417 = arith.subf %convert_element_type3A_414, %sub3A_416 : vector<32x512xf32>
    %get3A_418 = arith.constant 0 : index
    %get3A_419 = arith.constant 12 : index
    %get3A_420 = arith.constant 0 : index
    %get3A_421 = vector.load %arg0[%get3A_418, %get3A_419, %get3A_420] : memref<32x24x512xf32, #tpu.memory_space<vmem>>, vector<32x1x512xf32>
    %get3A_422 = vector.shape_cast %get3A_421 : vector<32x1x512xf32> to vector<32x512xf32>
    %abs3A_423 = math.absf %get3A_422 : vector<32x512xf32>
    %mul3A_424 = arith.mulf %sub3A_373, %abs3A_423 : vector<32x512xf32>
    %mul3A_425 = arith.constant 1.927310e-03 : f32
    %mul3A_426 = vector.broadcast %mul3A_425 : f32 to vector<32x512xf32>
    %mul3A_427 = arith.mulf %mul3A_424, %mul3A_426 : vector<32x512xf32>
    %mul3A_428 = arith.mulf %sub3A_366, %abs3A_423 : vector<32x512xf32>
    %mul3A_429 = arith.constant 0.0019250405 : f32
    %mul3A_430 = vector.broadcast %mul3A_429 : f32 to vector<32x512xf32>
    %mul3A_431 = arith.mulf %mul3A_428, %mul3A_430 : vector<32x512xf32>
    %get3A_432 = arith.constant 0 : index
    %get3A_433 = arith.constant 13 : index
    %get3A_434 = arith.constant 0 : index
    %get3A_435 = vector.load %arg0[%get3A_432, %get3A_433, %get3A_434] : memref<32x24x512xf32, #tpu.memory_space<vmem>>, vector<32x1x512xf32>
    %get3A_436 = vector.shape_cast %get3A_435 : vector<32x1x512xf32> to vector<32x512xf32>
    %abs3A_437 = math.absf %get3A_436 : vector<32x512xf32>
    %mul3A_438 = arith.mulf %sub3A_395, %abs3A_437 : vector<32x512xf32>
    %mul3A_439 = arith.constant 1.927310e-03 : f32
    %mul3A_440 = vector.broadcast %mul3A_439 : f32 to vector<32x512xf32>
    %mul3A_441 = arith.mulf %mul3A_438, %mul3A_440 : vector<32x512xf32>
    %mul3A_442 = arith.mulf %sub3A_388, %abs3A_437 : vector<32x512xf32>
    %mul3A_443 = arith.constant 0.0019250405 : f32
    %mul3A_444 = vector.broadcast %mul3A_443 : f32 to vector<32x512xf32>
    %mul3A_445 = arith.mulf %mul3A_442, %mul3A_444 : vector<32x512xf32>
    %get3A_446 = arith.constant 0 : index
    %get3A_447 = arith.constant 14 : index
    %get3A_448 = arith.constant 0 : index
    %get3A_449 = vector.load %arg0[%get3A_446, %get3A_447, %get3A_448] : memref<32x24x512xf32, #tpu.memory_space<vmem>>, vector<32x1x512xf32>
    %get3A_450 = vector.shape_cast %get3A_449 : vector<32x1x512xf32> to vector<32x512xf32>
    %abs3A_451 = math.absf %get3A_450 : vector<32x512xf32>
    %mul3A_452 = arith.mulf %sub3A_417, %abs3A_451 : vector<32x512xf32>
    %mul3A_453 = arith.constant 1.927310e-03 : f32
    %mul3A_454 = vector.broadcast %mul3A_453 : f32 to vector<32x512xf32>
    %mul3A_455 = arith.mulf %mul3A_452, %mul3A_454 : vector<32x512xf32>
    %mul3A_456 = arith.mulf %sub3A_410, %abs3A_451 : vector<32x512xf32>
    %mul3A_457 = arith.constant 0.0019250405 : f32
    %mul3A_458 = vector.broadcast %mul3A_457 : f32 to vector<32x512xf32>
    %mul3A_459 = arith.mulf %mul3A_456, %mul3A_458 : vector<32x512xf32>
    %sub3A_460 = arith.subf %mul3A_441, %mul3A_427 : vector<32x512xf32>
    %sub3A_461 = arith.subf %mul3A_445, %mul3A_431 : vector<32x512xf32>
    %sub3A_462 = arith.subf %get3A_436, %get3A_422 : vector<32x512xf32>
    %sub3A_463 = arith.subf %mul3A_455, %mul3A_427 : vector<32x512xf32>
    %sub3A_464 = arith.subf %mul3A_459, %mul3A_431 : vector<32x512xf32>
    %sub3A_465 = arith.subf %get3A_450, %get3A_422 : vector<32x512xf32>
    %mul3A_466 = arith.mulf %sub3A_461, %sub3A_465 : vector<32x512xf32>
    %mul3A_467 = arith.mulf %sub3A_462, %sub3A_464 : vector<32x512xf32>
    %sub3A_468 = arith.subf %mul3A_466, %mul3A_467 : vector<32x512xf32>
    %mul3A_469 = arith.mulf %sub3A_462, %sub3A_463 : vector<32x512xf32>
    %mul3A_470 = arith.mulf %sub3A_460, %sub3A_465 : vector<32x512xf32>
    %sub3A_471 = arith.subf %mul3A_469, %mul3A_470 : vector<32x512xf32>
    %mul3A_472 = arith.mulf %sub3A_460, %sub3A_464 : vector<32x512xf32>
    %mul3A_473 = arith.mulf %sub3A_461, %sub3A_463 : vector<32x512xf32>
    %sub3A_474 = arith.subf %mul3A_472, %mul3A_473 : vector<32x512xf32>
    %mul3A_475 = arith.mulf %sub3A_468, %sub3A_468 : vector<32x512xf32>
    %mul3A_476 = arith.mulf %sub3A_471, %sub3A_471 : vector<32x512xf32>
    %add3A_477 = arith.addf %mul3A_475, %mul3A_476 : vector<32x512xf32>
    %mul3A_478 = arith.mulf %sub3A_474, %sub3A_474 : vector<32x512xf32>
    %add3A_479 = arith.addf %add3A_477, %mul3A_478 : vector<32x512xf32>
    %sqrt3A_480 = math.sqrt %add3A_479 : vector<32x512xf32>
    %eq3A_481 = arith.constant 0.000000e+00 : f32
    %eq3A_482 = vector.broadcast %eq3A_481 : f32 to vector<32x512xf32>
    %eq3A_483 = arith.cmpf oeq, %sqrt3A_480, %eq3A_482 : vector<32x512xf32>
    %jit3A_484 = arith.constant 0.00999999977 : f32
    %jit3A_485 = arith.constant 0.000000e+00 : f32
    %broadcast_in_dim3A_486 = vector.broadcast %jit3A_484 : f32 to vector<32x512xf32>
    %broadcast_in_dim3A_487 = vector.broadcast %jit3A_485 : f32 to vector<32x512xf32>
    %select_n3A_488 = arith.select %eq3A_483, %broadcast_in_dim3A_486, %broadcast_in_dim3A_487 : vector<32x512xi1>, vector<32x512xf32>
    %add3A_489 = arith.addf %sqrt3A_480, %select_n3A_488 : vector<32x512xf32>
    %div3A_490 = arith.divf %sub3A_468, %add3A_489 : vector<32x512xf32>
    %div3A_491 = arith.divf %sub3A_471, %add3A_489 : vector<32x512xf32>
    %div3A_492 = arith.divf %sub3A_474, %add3A_489 : vector<32x512xf32>
    %get3A_493 = arith.constant 0 : index
    %get3A_494 = arith.constant 15 : index
    %get3A_495 = arith.constant 0 : index
    %get3A_496 = vector.load %arg0[%get3A_493, %get3A_494, %get3A_495] : memref<32x24x512xf32, #tpu.memory_space<vmem>>, vector<32x1x512xf32>
    %get3A_497 = vector.shape_cast %get3A_496 : vector<32x1x512xf32> to vector<32x512xf32>
    %abs3A_498 = math.absf %get3A_497 : vector<32x512xf32>
    %mul3A_499 = arith.mulf %sub3A_373, %abs3A_498 : vector<32x512xf32>
    %mul3A_500 = arith.constant 1.927310e-03 : f32
    %mul3A_501 = vector.broadcast %mul3A_500 : f32 to vector<32x512xf32>
    %mul3A_502 = arith.mulf %mul3A_499, %mul3A_501 : vector<32x512xf32>
    %mul3A_503 = arith.mulf %sub3A_366, %abs3A_498 : vector<32x512xf32>
    %mul3A_504 = arith.constant 0.0019250405 : f32
    %mul3A_505 = vector.broadcast %mul3A_504 : f32 to vector<32x512xf32>
    %mul3A_506 = arith.mulf %mul3A_503, %mul3A_505 : vector<32x512xf32>
    %get3A_507 = arith.constant 0 : index
    %get3A_508 = arith.constant 16 : index
    %get3A_509 = arith.constant 0 : index
    %get3A_510 = vector.load %arg0[%get3A_507, %get3A_508, %get3A_509] : memref<32x24x512xf32, #tpu.memory_space<vmem>>, vector<32x1x512xf32>
    %get3A_511 = vector.shape_cast %get3A_510 : vector<32x1x512xf32> to vector<32x512xf32>
    %abs3A_512 = math.absf %get3A_511 : vector<32x512xf32>
    %mul3A_513 = arith.mulf %sub3A_395, %abs3A_512 : vector<32x512xf32>
    %mul3A_514 = arith.constant 1.927310e-03 : f32
    %mul3A_515 = vector.broadcast %mul3A_514 : f32 to vector<32x512xf32>
    %mul3A_516 = arith.mulf %mul3A_513, %mul3A_515 : vector<32x512xf32>
    %mul3A_517 = arith.mulf %sub3A_388, %abs3A_512 : vector<32x512xf32>
    %mul3A_518 = arith.constant 0.0019250405 : f32
    %mul3A_519 = vector.broadcast %mul3A_518 : f32 to vector<32x512xf32>
    %mul3A_520 = arith.mulf %mul3A_517, %mul3A_519 : vector<32x512xf32>
    %get3A_521 = arith.constant 0 : index
    %get3A_522 = arith.constant 17 : index
    %get3A_523 = arith.constant 0 : index
    %get3A_524 = vector.load %arg0[%get3A_521, %get3A_522, %get3A_523] : memref<32x24x512xf32, #tpu.memory_space<vmem>>, vector<32x1x512xf32>
    %get3A_525 = vector.shape_cast %get3A_524 : vector<32x1x512xf32> to vector<32x512xf32>
    %abs3A_526 = math.absf %get3A_525 : vector<32x512xf32>
    %mul3A_527 = arith.mulf %sub3A_417, %abs3A_526 : vector<32x512xf32>
    %mul3A_528 = arith.constant 1.927310e-03 : f32
    %mul3A_529 = vector.broadcast %mul3A_528 : f32 to vector<32x512xf32>
    %mul3A_530 = arith.mulf %mul3A_527, %mul3A_529 : vector<32x512xf32>
    %mul3A_531 = arith.mulf %sub3A_410, %abs3A_526 : vector<32x512xf32>
    %mul3A_532 = arith.constant 0.0019250405 : f32
    %mul3A_533 = vector.broadcast %mul3A_532 : f32 to vector<32x512xf32>
    %mul3A_534 = arith.mulf %mul3A_531, %mul3A_533 : vector<32x512xf32>
    %sub3A_535 = arith.subf %mul3A_516, %mul3A_502 : vector<32x512xf32>
    %sub3A_536 = arith.subf %mul3A_520, %mul3A_506 : vector<32x512xf32>
    %sub3A_537 = arith.subf %get3A_511, %get3A_497 : vector<32x512xf32>
    %sub3A_538 = arith.subf %mul3A_530, %mul3A_502 : vector<32x512xf32>
    %sub3A_539 = arith.subf %mul3A_534, %mul3A_506 : vector<32x512xf32>
    %sub3A_540 = arith.subf %get3A_525, %get3A_497 : vector<32x512xf32>
    %mul3A_541 = arith.mulf %sub3A_536, %sub3A_540 : vector<32x512xf32>
    %mul3A_542 = arith.mulf %sub3A_537, %sub3A_539 : vector<32x512xf32>
    %sub3A_543 = arith.subf %mul3A_541, %mul3A_542 : vector<32x512xf32>
    %mul3A_544 = arith.mulf %sub3A_537, %sub3A_538 : vector<32x512xf32>
    %mul3A_545 = arith.mulf %sub3A_535, %sub3A_540 : vector<32x512xf32>
    %sub3A_546 = arith.subf %mul3A_544, %mul3A_545 : vector<32x512xf32>
    %mul3A_547 = arith.mulf %sub3A_535, %sub3A_539 : vector<32x512xf32>
    %mul3A_548 = arith.mulf %sub3A_536, %sub3A_538 : vector<32x512xf32>
    %sub3A_549 = arith.subf %mul3A_547, %mul3A_548 : vector<32x512xf32>
    %mul3A_550 = arith.mulf %sub3A_543, %sub3A_543 : vector<32x512xf32>
    %mul3A_551 = arith.mulf %sub3A_546, %sub3A_546 : vector<32x512xf32>
    %add3A_552 = arith.addf %mul3A_550, %mul3A_551 : vector<32x512xf32>
    %mul3A_553 = arith.mulf %sub3A_549, %sub3A_549 : vector<32x512xf32>
    %add3A_554 = arith.addf %add3A_552, %mul3A_553 : vector<32x512xf32>
    %sqrt3A_555 = math.sqrt %add3A_554 : vector<32x512xf32>
    %eq3A_556 = arith.constant 0.000000e+00 : f32
    %eq3A_557 = vector.broadcast %eq3A_556 : f32 to vector<32x512xf32>
    %eq3A_558 = arith.cmpf oeq, %sqrt3A_555, %eq3A_557 : vector<32x512xf32>
    %jit3A_559 = arith.constant 0.00999999977 : f32
    %jit3A_560 = arith.constant 0.000000e+00 : f32
    %broadcast_in_dim3A_561 = vector.broadcast %jit3A_559 : f32 to vector<32x512xf32>
    %broadcast_in_dim3A_562 = vector.broadcast %jit3A_560 : f32 to vector<32x512xf32>
    %select_n3A_563 = arith.select %eq3A_558, %broadcast_in_dim3A_561, %broadcast_in_dim3A_562 : vector<32x512xi1>, vector<32x512xf32>
    %add3A_564 = arith.addf %sqrt3A_555, %select_n3A_563 : vector<32x512xf32>
    %div3A_565 = arith.divf %sub3A_543, %add3A_564 : vector<32x512xf32>
    %div3A_566 = arith.divf %sub3A_546, %add3A_564 : vector<32x512xf32>
    %div3A_567 = arith.divf %sub3A_549, %add3A_564 : vector<32x512xf32>
    %get3A_568 = arith.constant 0 : index
    %get3A_569 = arith.constant 18 : index
    %get3A_570 = arith.constant 0 : index
    %get3A_571 = vector.load %arg0[%get3A_568, %get3A_569, %get3A_570] : memref<32x24x512xf32, #tpu.memory_space<vmem>>, vector<32x1x512xf32>
    %get3A_572 = vector.shape_cast %get3A_571 : vector<32x1x512xf32> to vector<32x512xf32>
    %abs3A_573 = math.absf %get3A_572 : vector<32x512xf32>
    %mul3A_574 = arith.mulf %sub3A_373, %abs3A_573 : vector<32x512xf32>
    %mul3A_575 = arith.constant 1.927310e-03 : f32
    %mul3A_576 = vector.broadcast %mul3A_575 : f32 to vector<32x512xf32>
    %mul3A_577 = arith.mulf %mul3A_574, %mul3A_576 : vector<32x512xf32>
    %mul3A_578 = arith.mulf %sub3A_366, %abs3A_573 : vector<32x512xf32>
    %mul3A_579 = arith.constant 0.0019250405 : f32
    %mul3A_580 = vector.broadcast %mul3A_579 : f32 to vector<32x512xf32>
    %mul3A_581 = arith.mulf %mul3A_578, %mul3A_580 : vector<32x512xf32>
    %get3A_582 = arith.constant 0 : index
    %get3A_583 = arith.constant 19 : index
    %get3A_584 = arith.constant 0 : index
    %get3A_585 = vector.load %arg0[%get3A_582, %get3A_583, %get3A_584] : memref<32x24x512xf32, #tpu.memory_space<vmem>>, vector<32x1x512xf32>
    %get3A_586 = vector.shape_cast %get3A_585 : vector<32x1x512xf32> to vector<32x512xf32>
    %abs3A_587 = math.absf %get3A_586 : vector<32x512xf32>
    %mul3A_588 = arith.mulf %sub3A_395, %abs3A_587 : vector<32x512xf32>
    %mul3A_589 = arith.constant 1.927310e-03 : f32
    %mul3A_590 = vector.broadcast %mul3A_589 : f32 to vector<32x512xf32>
    %mul3A_591 = arith.mulf %mul3A_588, %mul3A_590 : vector<32x512xf32>
    %mul3A_592 = arith.mulf %sub3A_388, %abs3A_587 : vector<32x512xf32>
    %mul3A_593 = arith.constant 0.0019250405 : f32
    %mul3A_594 = vector.broadcast %mul3A_593 : f32 to vector<32x512xf32>
    %mul3A_595 = arith.mulf %mul3A_592, %mul3A_594 : vector<32x512xf32>
    %get3A_596 = arith.constant 0 : index
    %get3A_597 = arith.constant 20 : index
    %get3A_598 = arith.constant 0 : index
    %get3A_599 = vector.load %arg0[%get3A_596, %get3A_597, %get3A_598] : memref<32x24x512xf32, #tpu.memory_space<vmem>>, vector<32x1x512xf32>
    %get3A_600 = vector.shape_cast %get3A_599 : vector<32x1x512xf32> to vector<32x512xf32>
    %abs3A_601 = math.absf %get3A_600 : vector<32x512xf32>
    %mul3A_602 = arith.mulf %sub3A_417, %abs3A_601 : vector<32x512xf32>
    %mul3A_603 = arith.constant 1.927310e-03 : f32
    %mul3A_604 = vector.broadcast %mul3A_603 : f32 to vector<32x512xf32>
    %mul3A_605 = arith.mulf %mul3A_602, %mul3A_604 : vector<32x512xf32>
    %mul3A_606 = arith.mulf %sub3A_410, %abs3A_601 : vector<32x512xf32>
    %mul3A_607 = arith.constant 0.0019250405 : f32
    %mul3A_608 = vector.broadcast %mul3A_607 : f32 to vector<32x512xf32>
    %mul3A_609 = arith.mulf %mul3A_606, %mul3A_608 : vector<32x512xf32>
    %sub3A_610 = arith.subf %mul3A_591, %mul3A_577 : vector<32x512xf32>
    %sub3A_611 = arith.subf %mul3A_595, %mul3A_581 : vector<32x512xf32>
    %sub3A_612 = arith.subf %get3A_586, %get3A_572 : vector<32x512xf32>
    %sub3A_613 = arith.subf %mul3A_605, %mul3A_577 : vector<32x512xf32>
    %sub3A_614 = arith.subf %mul3A_609, %mul3A_581 : vector<32x512xf32>
    %sub3A_615 = arith.subf %get3A_600, %get3A_572 : vector<32x512xf32>
    %mul3A_616 = arith.mulf %sub3A_611, %sub3A_615 : vector<32x512xf32>
    %mul3A_617 = arith.mulf %sub3A_612, %sub3A_614 : vector<32x512xf32>
    %sub3A_618 = arith.subf %mul3A_616, %mul3A_617 : vector<32x512xf32>
    %mul3A_619 = arith.mulf %sub3A_612, %sub3A_613 : vector<32x512xf32>
    %mul3A_620 = arith.mulf %sub3A_610, %sub3A_615 : vector<32x512xf32>
    %sub3A_621 = arith.subf %mul3A_619, %mul3A_620 : vector<32x512xf32>
    %mul3A_622 = arith.mulf %sub3A_610, %sub3A_614 : vector<32x512xf32>
    %mul3A_623 = arith.mulf %sub3A_611, %sub3A_613 : vector<32x512xf32>
    %sub3A_624 = arith.subf %mul3A_622, %mul3A_623 : vector<32x512xf32>
    %mul3A_625 = arith.mulf %sub3A_618, %sub3A_618 : vector<32x512xf32>
    %mul3A_626 = arith.mulf %sub3A_621, %sub3A_621 : vector<32x512xf32>
    %add3A_627 = arith.addf %mul3A_625, %mul3A_626 : vector<32x512xf32>
    %mul3A_628 = arith.mulf %sub3A_624, %sub3A_624 : vector<32x512xf32>
    %add3A_629 = arith.addf %add3A_627, %mul3A_628 : vector<32x512xf32>
    %sqrt3A_630 = math.sqrt %add3A_629 : vector<32x512xf32>
    %eq3A_631 = arith.constant 0.000000e+00 : f32
    %eq3A_632 = vector.broadcast %eq3A_631 : f32 to vector<32x512xf32>
    %eq3A_633 = arith.cmpf oeq, %sqrt3A_630, %eq3A_632 : vector<32x512xf32>
    %jit3A_634 = arith.constant 0.00999999977 : f32
    %jit3A_635 = arith.constant 0.000000e+00 : f32
    %broadcast_in_dim3A_636 = vector.broadcast %jit3A_634 : f32 to vector<32x512xf32>
    %broadcast_in_dim3A_637 = vector.broadcast %jit3A_635 : f32 to vector<32x512xf32>
    %select_n3A_638 = arith.select %eq3A_633, %broadcast_in_dim3A_636, %broadcast_in_dim3A_637 : vector<32x512xi1>, vector<32x512xf32>
    %add3A_639 = arith.addf %sqrt3A_630, %select_n3A_638 : vector<32x512xf32>
    %div3A_640 = arith.divf %sub3A_618, %add3A_639 : vector<32x512xf32>
    %div3A_641 = arith.divf %sub3A_621, %add3A_639 : vector<32x512xf32>
    %div3A_642 = arith.divf %sub3A_624, %add3A_639 : vector<32x512xf32>
    %get3A_643 = arith.constant 0 : index
    %get3A_644 = arith.constant 21 : index
    %get3A_645 = arith.constant 0 : index
    %get3A_646 = vector.load %arg0[%get3A_643, %get3A_644, %get3A_645] : memref<32x24x512xf32, #tpu.memory_space<vmem>>, vector<32x1x512xf32>
    %get3A_647 = vector.shape_cast %get3A_646 : vector<32x1x512xf32> to vector<32x512xf32>
    %abs3A_648 = math.absf %get3A_647 : vector<32x512xf32>
    %mul3A_649 = arith.mulf %sub3A_373, %abs3A_648 : vector<32x512xf32>
    %mul3A_650 = arith.constant 1.927310e-03 : f32
    %mul3A_651 = vector.broadcast %mul3A_650 : f32 to vector<32x512xf32>
    %mul3A_652 = arith.mulf %mul3A_649, %mul3A_651 : vector<32x512xf32>
    %mul3A_653 = arith.mulf %sub3A_366, %abs3A_648 : vector<32x512xf32>
    %mul3A_654 = arith.constant 0.0019250405 : f32
    %mul3A_655 = vector.broadcast %mul3A_654 : f32 to vector<32x512xf32>
    %mul3A_656 = arith.mulf %mul3A_653, %mul3A_655 : vector<32x512xf32>
    %get3A_657 = arith.constant 0 : index
    %get3A_658 = arith.constant 22 : index
    %get3A_659 = arith.constant 0 : index
    %get3A_660 = vector.load %arg0[%get3A_657, %get3A_658, %get3A_659] : memref<32x24x512xf32, #tpu.memory_space<vmem>>, vector<32x1x512xf32>
    %get3A_661 = vector.shape_cast %get3A_660 : vector<32x1x512xf32> to vector<32x512xf32>
    %abs3A_662 = math.absf %get3A_661 : vector<32x512xf32>
    %mul3A_663 = arith.mulf %sub3A_395, %abs3A_662 : vector<32x512xf32>
    %mul3A_664 = arith.constant 1.927310e-03 : f32
    %mul3A_665 = vector.broadcast %mul3A_664 : f32 to vector<32x512xf32>
    %mul3A_666 = arith.mulf %mul3A_663, %mul3A_665 : vector<32x512xf32>
    %mul3A_667 = arith.mulf %sub3A_388, %abs3A_662 : vector<32x512xf32>
    %mul3A_668 = arith.constant 0.0019250405 : f32
    %mul3A_669 = vector.broadcast %mul3A_668 : f32 to vector<32x512xf32>
    %mul3A_670 = arith.mulf %mul3A_667, %mul3A_669 : vector<32x512xf32>
    %get3A_671 = arith.constant 0 : index
    %get3A_672 = arith.constant 23 : index
    %get3A_673 = arith.constant 0 : index
    %get3A_674 = vector.load %arg0[%get3A_671, %get3A_672, %get3A_673] : memref<32x24x512xf32, #tpu.memory_space<vmem>>, vector<32x1x512xf32>
    %get3A_675 = vector.shape_cast %get3A_674 : vector<32x1x512xf32> to vector<32x512xf32>
    %abs3A_676 = math.absf %get3A_675 : vector<32x512xf32>
    %mul3A_677 = arith.mulf %sub3A_417, %abs3A_676 : vector<32x512xf32>
    %mul3A_678 = arith.constant 1.927310e-03 : f32
    %mul3A_679 = vector.broadcast %mul3A_678 : f32 to vector<32x512xf32>
    %mul3A_680 = arith.mulf %mul3A_677, %mul3A_679 : vector<32x512xf32>
    %mul3A_681 = arith.mulf %sub3A_410, %abs3A_676 : vector<32x512xf32>
    %mul3A_682 = arith.constant 0.0019250405 : f32
    %mul3A_683 = vector.broadcast %mul3A_682 : f32 to vector<32x512xf32>
    %mul3A_684 = arith.mulf %mul3A_681, %mul3A_683 : vector<32x512xf32>
    %sub3A_685 = arith.subf %mul3A_666, %mul3A_652 : vector<32x512xf32>
    %sub3A_686 = arith.subf %mul3A_670, %mul3A_656 : vector<32x512xf32>
    %sub3A_687 = arith.subf %get3A_661, %get3A_647 : vector<32x512xf32>
    %sub3A_688 = arith.subf %mul3A_680, %mul3A_652 : vector<32x512xf32>
    %sub3A_689 = arith.subf %mul3A_684, %mul3A_656 : vector<32x512xf32>
    %sub3A_690 = arith.subf %get3A_675, %get3A_647 : vector<32x512xf32>
    %mul3A_691 = arith.mulf %sub3A_686, %sub3A_690 : vector<32x512xf32>
    %mul3A_692 = arith.mulf %sub3A_687, %sub3A_689 : vector<32x512xf32>
    %sub3A_693 = arith.subf %mul3A_691, %mul3A_692 : vector<32x512xf32>
    %mul3A_694 = arith.mulf %sub3A_687, %sub3A_688 : vector<32x512xf32>
    %mul3A_695 = arith.mulf %sub3A_685, %sub3A_690 : vector<32x512xf32>
    %sub3A_696 = arith.subf %mul3A_694, %mul3A_695 : vector<32x512xf32>
    %mul3A_697 = arith.mulf %sub3A_685, %sub3A_689 : vector<32x512xf32>
    %mul3A_698 = arith.mulf %sub3A_686, %sub3A_688 : vector<32x512xf32>
    %sub3A_699 = arith.subf %mul3A_697, %mul3A_698 : vector<32x512xf32>
    %mul3A_700 = arith.mulf %sub3A_693, %sub3A_693 : vector<32x512xf32>
    %mul3A_701 = arith.mulf %sub3A_696, %sub3A_696 : vector<32x512xf32>
    %add3A_702 = arith.addf %mul3A_700, %mul3A_701 : vector<32x512xf32>
    %mul3A_703 = arith.mulf %sub3A_699, %sub3A_699 : vector<32x512xf32>
    %add3A_704 = arith.addf %add3A_702, %mul3A_703 : vector<32x512xf32>
    %sqrt3A_705 = math.sqrt %add3A_704 : vector<32x512xf32>
    %eq3A_706 = arith.constant 0.000000e+00 : f32
    %eq3A_707 = vector.broadcast %eq3A_706 : f32 to vector<32x512xf32>
    %eq3A_708 = arith.cmpf oeq, %sqrt3A_705, %eq3A_707 : vector<32x512xf32>
    %jit3A_709 = arith.constant 0.00999999977 : f32
    %jit3A_710 = arith.constant 0.000000e+00 : f32
    %broadcast_in_dim3A_711 = vector.broadcast %jit3A_709 : f32 to vector<32x512xf32>
    %broadcast_in_dim3A_712 = vector.broadcast %jit3A_710 : f32 to vector<32x512xf32>
    %select_n3A_713 = arith.select %eq3A_708, %broadcast_in_dim3A_711, %broadcast_in_dim3A_712 : vector<32x512xi1>, vector<32x512xf32>
    %add3A_714 = arith.addf %sqrt3A_705, %select_n3A_713 : vector<32x512xf32>
    %div3A_715 = arith.divf %sub3A_693, %add3A_714 : vector<32x512xf32>
    %div3A_716 = arith.divf %sub3A_696, %add3A_714 : vector<32x512xf32>
    %div3A_717 = arith.divf %sub3A_699, %add3A_714 : vector<32x512xf32>
    %iota3A = tpu.iota {dimensions = array<i32: 0>} : vector<32x512xi32>
    %mul3A_718 = arith.constant 512 : i32
    %mul3A_719 = vector.broadcast %mul3A_718 : i32 to vector<32x512xi32>
    %mul3A_720 = arith.muli %iota3A, %mul3A_719 : vector<32x512xi32>
    %iota3A_721 = tpu.iota {dimensions = array<i32: 1>} : vector<32x512xi32>
    %add3A_722 = arith.addi %mul3A_720, %iota3A_721 : vector<32x512xi32>
    %lt3A = arith.constant 15000 : i32
    %lt3A_723 = vector.broadcast %lt3A : i32 to vector<32x512xi32>
    %lt3A_724 = arith.cmpi slt, %add3A_722, %lt3A_723 : vector<32x512xi32>
    %sub3A_725 = arith.subf %div3A, %div3A_490 : vector<32x512xf32>
    %abs3A_726 = math.absf %sub3A_725 : vector<32x512xf32>
    %add3A_727 = arith.constant 0.000000e+00 : f32
    %add3A_728 = vector.broadcast %add3A_727 : f32 to vector<32x512xf32>
    %add3A_729 = arith.addf %add3A_728, %abs3A_726 : vector<32x512xf32>
    %sub3A_730 = arith.subf %div3A_125, %div3A_491 : vector<32x512xf32>
    %abs3A_731 = math.absf %sub3A_730 : vector<32x512xf32>
    %add3A_732 = arith.addf %add3A_729, %abs3A_731 : vector<32x512xf32>
    %sub3A_733 = arith.subf %div3A_126, %div3A_492 : vector<32x512xf32>
    %abs3A_734 = math.absf %sub3A_733 : vector<32x512xf32>
    %add3A_735 = arith.addf %add3A_732, %abs3A_734 : vector<32x512xf32>
    %sub3A_736 = arith.subf %div3A_199, %div3A_565 : vector<32x512xf32>
    %abs3A_737 = math.absf %sub3A_736 : vector<32x512xf32>
    %add3A_738 = arith.constant 0.000000e+00 : f32
    %add3A_739 = vector.broadcast %add3A_738 : f32 to vector<32x512xf32>
    %add3A_740 = arith.addf %add3A_739, %abs3A_737 : vector<32x512xf32>
    %sub3A_741 = arith.subf %div3A_200, %div3A_566 : vector<32x512xf32>
    %abs3A_742 = math.absf %sub3A_741 : vector<32x512xf32>
    %add3A_743 = arith.addf %add3A_740, %abs3A_742 : vector<32x512xf32>
    %sub3A_744 = arith.subf %div3A_201, %div3A_567 : vector<32x512xf32>
    %abs3A_745 = math.absf %sub3A_744 : vector<32x512xf32>
    %add3A_746 = arith.addf %add3A_743, %abs3A_745 : vector<32x512xf32>
    %sub3A_747 = arith.subf %div3A_274, %div3A_640 : vector<32x512xf32>
    %abs3A_748 = math.absf %sub3A_747 : vector<32x512xf32>
    %add3A_749 = arith.constant 0.000000e+00 : f32
    %add3A_750 = vector.broadcast %add3A_749 : f32 to vector<32x512xf32>
    %add3A_751 = arith.addf %add3A_750, %abs3A_748 : vector<32x512xf32>
    %sub3A_752 = arith.subf %div3A_275, %div3A_641 : vector<32x512xf32>
    %abs3A_753 = math.absf %sub3A_752 : vector<32x512xf32>
    %add3A_754 = arith.addf %add3A_751, %abs3A_753 : vector<32x512xf32>
    %sub3A_755 = arith.subf %div3A_276, %div3A_642 : vector<32x512xf32>
    %abs3A_756 = math.absf %sub3A_755 : vector<32x512xf32>
    %add3A_757 = arith.addf %add3A_754, %abs3A_756 : vector<32x512xf32>
    %sub3A_758 = arith.subf %div3A_349, %div3A_715 : vector<32x512xf32>
    %abs3A_759 = math.absf %sub3A_758 : vector<32x512xf32>
    %add3A_760 = arith.constant 0.000000e+00 : f32
    %add3A_761 = vector.broadcast %add3A_760 : f32 to vector<32x512xf32>
    %add3A_762 = arith.addf %add3A_761, %abs3A_759 : vector<32x512xf32>
    %sub3A_763 = arith.subf %div3A_350, %div3A_716 : vector<32x512xf32>
    %abs3A_764 = math.absf %sub3A_763 : vector<32x512xf32>
    %add3A_765 = arith.addf %add3A_762, %abs3A_764 : vector<32x512xf32>
    %sub3A_766 = arith.subf %div3A_351, %div3A_717 : vector<32x512xf32>
    %abs3A_767 = math.absf %sub3A_766 : vector<32x512xf32>
    %add3A_768 = arith.addf %add3A_765, %abs3A_767 : vector<32x512xf32>
    %bitcast_convert_type3A = tpu.bitcast %add3A_735 : vector<32x512xf32> -> vector<32x512xi32>
    %jit3A_769 = arith.constant 2139095040 : i32
    %broadcast_in_dim3A_770 = vector.broadcast %jit3A_769 : i32 to vector<32x512xi32>
    %select_n3A_771 = arith.select %lt3A_724, %bitcast_convert_type3A, %broadcast_in_dim3A_770 : vector<32x512xi1>, vector<32x512xi32>
    %bitcast_convert_type3A_772 = tpu.bitcast %add3A_746 : vector<32x512xf32> -> vector<32x512xi32>
    %jit3A_773 = arith.constant 2139095040 : i32
    %broadcast_in_dim3A_774 = vector.broadcast %jit3A_773 : i32 to vector<32x512xi32>
    %select_n3A_775 = arith.select %lt3A_724, %bitcast_convert_type3A_772, %broadcast_in_dim3A_774 : vector<32x512xi1>, vector<32x512xi32>
    %bitcast_convert_type3A_776 = tpu.bitcast %add3A_757 : vector<32x512xf32> -> vector<32x512xi32>
    %jit3A_777 = arith.constant 2139095040 : i32
    %broadcast_in_dim3A_778 = vector.broadcast %jit3A_777 : i32 to vector<32x512xi32>
    %select_n3A_779 = arith.select %lt3A_724, %bitcast_convert_type3A_776, %broadcast_in_dim3A_778 : vector<32x512xi1>, vector<32x512xi32>
    %bitcast_convert_type3A_780 = tpu.bitcast %add3A_768 : vector<32x512xf32> -> vector<32x512xi32>
    %jit3A_781 = arith.constant 2139095040 : i32
    %broadcast_in_dim3A_782 = vector.broadcast %jit3A_781 : i32 to vector<32x512xi32>
    %select_n3A_783 = arith.select %lt3A_724, %bitcast_convert_type3A_780, %broadcast_in_dim3A_782 : vector<32x512xi1>, vector<32x512xi32>
    %scan3A = arith.constant 0 : i32
    %scan3A_784 = arith.constant 2139095040 : i32
    %scan3A_785 = arith.constant 0 : i32
    %scan3A_786 = arith.constant 31 : i32
    %scan3A_787 = arith.addi %scan3A_785, %scan3A_786 : i32
    %scan3A_788 = arith.constant 1 : i32
    %scan3A_789:2 = scf.for %scan3A_918 = %scan3A_785 to %scan3A_787 step %scan3A_788 iter_args(%scan3A_919 = %scan3A, %scan3A_920 = %scan3A_784) -> (i32, i32)  : i32 {
      %sub3A_921 = arith.subi %scan3A_920, %scan3A_919 : i32
      %jit3A_922 = arith.constant 2 : i32
      %div3A_923 = arith.divsi %sub3A_921, %jit3A_922 : i32
      %sign3A = arith.constant 0 : i32
      %sign3A_924 = arith.cmpi sgt, %sub3A_921, %sign3A : i32
      %sign3A_925 = arith.extui %sign3A_924 : i1 to i32
      %sign3A_926 = arith.constant 0 : i32
      %sign3A_927 = arith.cmpi slt, %sub3A_921, %sign3A_926 : i32
      %sign3A_928 = arith.extui %sign3A_927 : i1 to i32
      %sign3A_929 = arith.subi %sign3A_925, %sign3A_928 : i32
      %sign3A_930 = arith.constant 0 : i32
      %sign3A_931 = arith.cmpi sgt, %jit3A_922, %sign3A_930 : i32
      %sign3A_932 = arith.extui %sign3A_931 : i1 to i32
      %sign3A_933 = arith.constant 0 : i32
      %sign3A_934 = arith.cmpi slt, %jit3A_922, %sign3A_933 : i32
      %sign3A_935 = arith.extui %sign3A_934 : i1 to i32
      %sign3A_936 = arith.subi %sign3A_932, %sign3A_935 : i32
      %ne3A = arith.cmpi ne, %sign3A_929, %sign3A_936 : i32
      %rem3A = arith.remsi %sub3A_921, %jit3A_922 : i32
      %ne3A_937 = arith.constant 0 : i32
      %ne3A_938 = arith.cmpi ne, %rem3A, %ne3A_937 : i32
      %and3A_939 = arith.andi %ne3A, %ne3A_938 : i1
      %sub3A_940 = arith.constant 1 : i32
      %sub3A_941 = arith.subi %div3A_923, %sub3A_940 : i32
      %select_n3A_942 = arith.select %and3A_939, %sub3A_941, %div3A_923 : i32
      %add3A_943 = arith.addi %scan3A_919, %select_n3A_942 : i32
      %le3A = vector.broadcast %add3A_943 : i32 to vector<32x512xi32>
      %le3A_944 = arith.cmpi sle, %select_n3A_771, %le3A : vector<32x512xi32>
      %convert_element_type3A_945 = arith.extui %le3A_944 : vector<32x512xi1> to vector<32x512xi32>
      %reduce_sum3A_946 = vector.shape_cast %convert_element_type3A_945 : vector<32x512xi32> to vector<1x32x512xi32>
      %reduce_sum3A_947 = arith.constant dense<0> : vector<1xi32>
      %reduce_sum3A_948 = vector.multi_reduction <add>, %reduce_sum3A_946, %reduce_sum3A_947 [1, 2] : vector<1x32x512xi32> to vector<1xi32>
      %reduce_sum3A_949 = vector.shape_cast %reduce_sum3A_948 : vector<1xi32> to vector<1x1x1xi32>
      %reduce_sum3A_950 = vector.extract %reduce_sum3A_949[0, 0, 0] : i32 from vector<1x1x1xi32>
      %add3A_951 = arith.constant 0 : i32
      %add3A_952 = arith.addi %add3A_951, %reduce_sum3A_950 : i32
      %le3A_953 = vector.broadcast %add3A_943 : i32 to vector<32x512xi32>
      %le3A_954 = arith.cmpi sle, %select_n3A_775, %le3A_953 : vector<32x512xi32>
      %convert_element_type3A_955 = arith.extui %le3A_954 : vector<32x512xi1> to vector<32x512xi32>
      %reduce_sum3A_956 = vector.shape_cast %convert_element_type3A_955 : vector<32x512xi32> to vector<1x32x512xi32>
      %reduce_sum3A_957 = arith.constant dense<0> : vector<1xi32>
      %reduce_sum3A_958 = vector.multi_reduction <add>, %reduce_sum3A_956, %reduce_sum3A_957 [1, 2] : vector<1x32x512xi32> to vector<1xi32>
      %reduce_sum3A_959 = vector.shape_cast %reduce_sum3A_958 : vector<1xi32> to vector<1x1x1xi32>
      %reduce_sum3A_960 = vector.extract %reduce_sum3A_959[0, 0, 0] : i32 from vector<1x1x1xi32>
      %add3A_961 = arith.addi %add3A_952, %reduce_sum3A_960 : i32
      %le3A_962 = vector.broadcast %add3A_943 : i32 to vector<32x512xi32>
      %le3A_963 = arith.cmpi sle, %select_n3A_779, %le3A_962 : vector<32x512xi32>
      %convert_element_type3A_964 = arith.extui %le3A_963 : vector<32x512xi1> to vector<32x512xi32>
      %reduce_sum3A_965 = vector.shape_cast %convert_element_type3A_964 : vector<32x512xi32> to vector<1x32x512xi32>
      %reduce_sum3A_966 = arith.constant dense<0> : vector<1xi32>
      %reduce_sum3A_967 = vector.multi_reduction <add>, %reduce_sum3A_965, %reduce_sum3A_966 [1, 2] : vector<1x32x512xi32> to vector<1xi32>
      %reduce_sum3A_968 = vector.shape_cast %reduce_sum3A_967 : vector<1xi32> to vector<1x1x1xi32>
      %reduce_sum3A_969 = vector.extract %reduce_sum3A_968[0, 0, 0] : i32 from vector<1x1x1xi32>
      %add3A_970 = arith.addi %add3A_961, %reduce_sum3A_969 : i32
      %le3A_971 = vector.broadcast %add3A_943 : i32 to vector<32x512xi32>
      %le3A_972 = arith.cmpi sle, %select_n3A_783, %le3A_971 : vector<32x512xi32>
      %convert_element_type3A_973 = arith.extui %le3A_972 : vector<32x512xi1> to vector<32x512xi32>
      %reduce_sum3A_974 = vector.shape_cast %convert_element_type3A_973 : vector<32x512xi32> to vector<1x32x512xi32>
      %reduce_sum3A_975 = arith.constant dense<0> : vector<1xi32>
      %reduce_sum3A_976 = vector.multi_reduction <add>, %reduce_sum3A_974, %reduce_sum3A_975 [1, 2] : vector<1x32x512xi32> to vector<1xi32>
      %reduce_sum3A_977 = vector.shape_cast %reduce_sum3A_976 : vector<1xi32> to vector<1x1x1xi32>
      %reduce_sum3A_978 = vector.extract %reduce_sum3A_977[0, 0, 0] : i32 from vector<1x1x1xi32>
      %add3A_979 = arith.addi %add3A_970, %reduce_sum3A_978 : i32
      %ge3A = arith.constant 15000 : i32
      %ge3A_980 = arith.cmpi sge, %add3A_979, %ge3A : i32
      %add3A_981 = arith.constant 1 : i32
      %add3A_982 = arith.addi %add3A_943, %add3A_981 : i32
      %select_n3A_983 = arith.select %ge3A_980, %scan3A_919, %add3A_982 : i32
      %select_n3A_984 = arith.select %ge3A_980, %add3A_943, %scan3A_920 : i32
      scf.yield %select_n3A_983, %select_n3A_984 : i32, i32
    }
    %bitcast_convert_type3A_790 = arith.bitcast %scan3A_789#1 : i32 to f32
    %lt3A_791 = vector.broadcast %bitcast_convert_type3A_790 : f32 to vector<32x512xf32>
    %lt3A_792 = arith.cmpf olt, %add3A_735, %lt3A_791 : vector<32x512xf32>
    %and3A_793 = arith.andi %lt3A_724, %lt3A_792 : vector<32x512xi1>
    %convert_element_type3A_794 = arith.extui %and3A_793 : vector<32x512xi1> to vector<32x512xi32>
    %convert_element_type3A_795 = arith.sitofp %convert_element_type3A_794 : vector<32x512xi32> to vector<32x512xf32>
    %reduce_sum3A = vector.shape_cast %convert_element_type3A_795 : vector<32x512xf32> to vector<1x32x512xf32>
    %reduce_sum3A_796 = arith.constant dense<0.000000e+00> : vector<1xf32>
    %reduce_sum3A_797 = vector.multi_reduction <add>, %reduce_sum3A, %reduce_sum3A_796 [1, 2] : vector<1x32x512xf32> to vector<1xf32>
    %reduce_sum3A_798 = vector.shape_cast %reduce_sum3A_797 : vector<1xf32> to vector<1x1x1xf32>
    %reduce_sum3A_799 = vector.extract %reduce_sum3A_798[0, 0, 0] : f32 from vector<1x1x1xf32>
    %add3A_800 = arith.constant 0.000000e+00 : f32
    %add3A_801 = arith.addf %add3A_800, %reduce_sum3A_799 : f32
    %jit3A_802 = arith.constant 0.000000e+00 : f32
    %broadcast_in_dim3A_803 = vector.broadcast %jit3A_802 : f32 to vector<32x512xf32>
    %select_n3A_804 = arith.select %and3A_793, %add3A_735, %broadcast_in_dim3A_803 : vector<32x512xi1>, vector<32x512xf32>
    %reduce_sum3A_805 = vector.shape_cast %select_n3A_804 : vector<32x512xf32> to vector<1x32x512xf32>
    %reduce_sum3A_806 = arith.constant dense<0.000000e+00> : vector<1xf32>
    %reduce_sum3A_807 = vector.multi_reduction <add>, %reduce_sum3A_805, %reduce_sum3A_806 [1, 2] : vector<1x32x512xf32> to vector<1xf32>
    %reduce_sum3A_808 = vector.shape_cast %reduce_sum3A_807 : vector<1xf32> to vector<1x1x1xf32>
    %reduce_sum3A_809 = vector.extract %reduce_sum3A_808[0, 0, 0] : f32 from vector<1x1x1xf32>
    %add3A_810 = arith.constant 0.000000e+00 : f32
    %add3A_811 = arith.addf %add3A_810, %reduce_sum3A_809 : f32
    %jit3A_812 = arith.constant 0.000000e+00 : f32
    %broadcast_in_dim3A_813 = vector.broadcast %jit3A_812 : f32 to vector<32x512xf32>
    %select_n3A_814 = arith.select %lt3A_724, %add3A_735, %broadcast_in_dim3A_813 : vector<32x512xi1>, vector<32x512xf32>
    %reduce_sum3A_815 = vector.shape_cast %select_n3A_814 : vector<32x512xf32> to vector<1x32x512xf32>
    %reduce_sum3A_816 = arith.constant dense<0.000000e+00> : vector<1xf32>
    %reduce_sum3A_817 = vector.multi_reduction <add>, %reduce_sum3A_815, %reduce_sum3A_816 [1, 2] : vector<1x32x512xf32> to vector<1xf32>
    %reduce_sum3A_818 = vector.shape_cast %reduce_sum3A_817 : vector<1xf32> to vector<1x1x1xf32>
    %reduce_sum3A_819 = vector.extract %reduce_sum3A_818[0, 0, 0] : f32 from vector<1x1x1xf32>
    %add3A_820 = arith.constant 0.000000e+00 : f32
    %add3A_821 = arith.addf %add3A_820, %reduce_sum3A_819 : f32
    %lt3A_822 = vector.broadcast %bitcast_convert_type3A_790 : f32 to vector<32x512xf32>
    %lt3A_823 = arith.cmpf olt, %add3A_746, %lt3A_822 : vector<32x512xf32>
    %and3A_824 = arith.andi %lt3A_724, %lt3A_823 : vector<32x512xi1>
    %convert_element_type3A_825 = arith.extui %and3A_824 : vector<32x512xi1> to vector<32x512xi32>
    %convert_element_type3A_826 = arith.sitofp %convert_element_type3A_825 : vector<32x512xi32> to vector<32x512xf32>
    %reduce_sum3A_827 = vector.shape_cast %convert_element_type3A_826 : vector<32x512xf32> to vector<1x32x512xf32>
    %reduce_sum3A_828 = arith.constant dense<0.000000e+00> : vector<1xf32>
    %reduce_sum3A_829 = vector.multi_reduction <add>, %reduce_sum3A_827, %reduce_sum3A_828 [1, 2] : vector<1x32x512xf32> to vector<1xf32>
    %reduce_sum3A_830 = vector.shape_cast %reduce_sum3A_829 : vector<1xf32> to vector<1x1x1xf32>
    %reduce_sum3A_831 = vector.extract %reduce_sum3A_830[0, 0, 0] : f32 from vector<1x1x1xf32>
    %add3A_832 = arith.addf %add3A_801, %reduce_sum3A_831 : f32
    %jit3A_833 = arith.constant 0.000000e+00 : f32
    %broadcast_in_dim3A_834 = vector.broadcast %jit3A_833 : f32 to vector<32x512xf32>
    %select_n3A_835 = arith.select %and3A_824, %add3A_746, %broadcast_in_dim3A_834 : vector<32x512xi1>, vector<32x512xf32>
    %reduce_sum3A_836 = vector.shape_cast %select_n3A_835 : vector<32x512xf32> to vector<1x32x512xf32>
    %reduce_sum3A_837 = arith.constant dense<0.000000e+00> : vector<1xf32>
    %reduce_sum3A_838 = vector.multi_reduction <add>, %reduce_sum3A_836, %reduce_sum3A_837 [1, 2] : vector<1x32x512xf32> to vector<1xf32>
    %reduce_sum3A_839 = vector.shape_cast %reduce_sum3A_838 : vector<1xf32> to vector<1x1x1xf32>
    %reduce_sum3A_840 = vector.extract %reduce_sum3A_839[0, 0, 0] : f32 from vector<1x1x1xf32>
    %add3A_841 = arith.addf %add3A_811, %reduce_sum3A_840 : f32
    %jit3A_842 = arith.constant 0.000000e+00 : f32
    %broadcast_in_dim3A_843 = vector.broadcast %jit3A_842 : f32 to vector<32x512xf32>
    %select_n3A_844 = arith.select %lt3A_724, %add3A_746, %broadcast_in_dim3A_843 : vector<32x512xi1>, vector<32x512xf32>
    %reduce_sum3A_845 = vector.shape_cast %select_n3A_844 : vector<32x512xf32> to vector<1x32x512xf32>
    %reduce_sum3A_846 = arith.constant dense<0.000000e+00> : vector<1xf32>
    %reduce_sum3A_847 = vector.multi_reduction <add>, %reduce_sum3A_845, %reduce_sum3A_846 [1, 2] : vector<1x32x512xf32> to vector<1xf32>
    %reduce_sum3A_848 = vector.shape_cast %reduce_sum3A_847 : vector<1xf32> to vector<1x1x1xf32>
    %reduce_sum3A_849 = vector.extract %reduce_sum3A_848[0, 0, 0] : f32 from vector<1x1x1xf32>
    %add3A_850 = arith.addf %add3A_821, %reduce_sum3A_849 : f32
    %lt3A_851 = vector.broadcast %bitcast_convert_type3A_790 : f32 to vector<32x512xf32>
    %lt3A_852 = arith.cmpf olt, %add3A_757, %lt3A_851 : vector<32x512xf32>
    %and3A_853 = arith.andi %lt3A_724, %lt3A_852 : vector<32x512xi1>
    %convert_element_type3A_854 = arith.extui %and3A_853 : vector<32x512xi1> to vector<32x512xi32>
    %convert_element_type3A_855 = arith.sitofp %convert_element_type3A_854 : vector<32x512xi32> to vector<32x512xf32>
    %reduce_sum3A_856 = vector.shape_cast %convert_element_type3A_855 : vector<32x512xf32> to vector<1x32x512xf32>
    %reduce_sum3A_857 = arith.constant dense<0.000000e+00> : vector<1xf32>
    %reduce_sum3A_858 = vector.multi_reduction <add>, %reduce_sum3A_856, %reduce_sum3A_857 [1, 2] : vector<1x32x512xf32> to vector<1xf32>
    %reduce_sum3A_859 = vector.shape_cast %reduce_sum3A_858 : vector<1xf32> to vector<1x1x1xf32>
    %reduce_sum3A_860 = vector.extract %reduce_sum3A_859[0, 0, 0] : f32 from vector<1x1x1xf32>
    %add3A_861 = arith.addf %add3A_832, %reduce_sum3A_860 : f32
    %jit3A_862 = arith.constant 0.000000e+00 : f32
    %broadcast_in_dim3A_863 = vector.broadcast %jit3A_862 : f32 to vector<32x512xf32>
    %select_n3A_864 = arith.select %and3A_853, %add3A_757, %broadcast_in_dim3A_863 : vector<32x512xi1>, vector<32x512xf32>
    %reduce_sum3A_865 = vector.shape_cast %select_n3A_864 : vector<32x512xf32> to vector<1x32x512xf32>
    %reduce_sum3A_866 = arith.constant dense<0.000000e+00> : vector<1xf32>
    %reduce_sum3A_867 = vector.multi_reduction <add>, %reduce_sum3A_865, %reduce_sum3A_866 [1, 2] : vector<1x32x512xf32> to vector<1xf32>
    %reduce_sum3A_868 = vector.shape_cast %reduce_sum3A_867 : vector<1xf32> to vector<1x1x1xf32>
    %reduce_sum3A_869 = vector.extract %reduce_sum3A_868[0, 0, 0] : f32 from vector<1x1x1xf32>
    %add3A_870 = arith.addf %add3A_841, %reduce_sum3A_869 : f32
    %jit3A_871 = arith.constant 0.000000e+00 : f32
    %broadcast_in_dim3A_872 = vector.broadcast %jit3A_871 : f32 to vector<32x512xf32>
    %select_n3A_873 = arith.select %lt3A_724, %add3A_757, %broadcast_in_dim3A_872 : vector<32x512xi1>, vector<32x512xf32>
    %reduce_sum3A_874 = vector.shape_cast %select_n3A_873 : vector<32x512xf32> to vector<1x32x512xf32>
    %reduce_sum3A_875 = arith.constant dense<0.000000e+00> : vector<1xf32>
    %reduce_sum3A_876 = vector.multi_reduction <add>, %reduce_sum3A_874, %reduce_sum3A_875 [1, 2] : vector<1x32x512xf32> to vector<1xf32>
    %reduce_sum3A_877 = vector.shape_cast %reduce_sum3A_876 : vector<1xf32> to vector<1x1x1xf32>
    %reduce_sum3A_878 = vector.extract %reduce_sum3A_877[0, 0, 0] : f32 from vector<1x1x1xf32>
    %add3A_879 = arith.addf %add3A_850, %reduce_sum3A_878 : f32
    %lt3A_880 = vector.broadcast %bitcast_convert_type3A_790 : f32 to vector<32x512xf32>
    %lt3A_881 = arith.cmpf olt, %add3A_768, %lt3A_880 : vector<32x512xf32>
    %and3A_882 = arith.andi %lt3A_724, %lt3A_881 : vector<32x512xi1>
    %convert_element_type3A_883 = arith.extui %and3A_882 : vector<32x512xi1> to vector<32x512xi32>
    %convert_element_type3A_884 = arith.sitofp %convert_element_type3A_883 : vector<32x512xi32> to vector<32x512xf32>
    %reduce_sum3A_885 = vector.shape_cast %convert_element_type3A_884 : vector<32x512xf32> to vector<1x32x512xf32>
    %reduce_sum3A_886 = arith.constant dense<0.000000e+00> : vector<1xf32>
    %reduce_sum3A_887 = vector.multi_reduction <add>, %reduce_sum3A_885, %reduce_sum3A_886 [1, 2] : vector<1x32x512xf32> to vector<1xf32>
    %reduce_sum3A_888 = vector.shape_cast %reduce_sum3A_887 : vector<1xf32> to vector<1x1x1xf32>
    %reduce_sum3A_889 = vector.extract %reduce_sum3A_888[0, 0, 0] : f32 from vector<1x1x1xf32>
    %add3A_890 = arith.addf %add3A_861, %reduce_sum3A_889 : f32
    %jit3A_891 = arith.constant 0.000000e+00 : f32
    %broadcast_in_dim3A_892 = vector.broadcast %jit3A_891 : f32 to vector<32x512xf32>
    %select_n3A_893 = arith.select %and3A_882, %add3A_768, %broadcast_in_dim3A_892 : vector<32x512xi1>, vector<32x512xf32>
    %reduce_sum3A_894 = vector.shape_cast %select_n3A_893 : vector<32x512xf32> to vector<1x32x512xf32>
    %reduce_sum3A_895 = arith.constant dense<0.000000e+00> : vector<1xf32>
    %reduce_sum3A_896 = vector.multi_reduction <add>, %reduce_sum3A_894, %reduce_sum3A_895 [1, 2] : vector<1x32x512xf32> to vector<1xf32>
    %reduce_sum3A_897 = vector.shape_cast %reduce_sum3A_896 : vector<1xf32> to vector<1x1x1xf32>
    %reduce_sum3A_898 = vector.extract %reduce_sum3A_897[0, 0, 0] : f32 from vector<1x1x1xf32>
    %add3A_899 = arith.addf %add3A_870, %reduce_sum3A_898 : f32
    %jit3A_900 = arith.constant 0.000000e+00 : f32
    %broadcast_in_dim3A_901 = vector.broadcast %jit3A_900 : f32 to vector<32x512xf32>
    %select_n3A_902 = arith.select %lt3A_724, %add3A_768, %broadcast_in_dim3A_901 : vector<32x512xi1>, vector<32x512xf32>
    %reduce_sum3A_903 = vector.shape_cast %select_n3A_902 : vector<32x512xf32> to vector<1x32x512xf32>
    %reduce_sum3A_904 = arith.constant dense<0.000000e+00> : vector<1xf32>
    %reduce_sum3A_905 = vector.multi_reduction <add>, %reduce_sum3A_903, %reduce_sum3A_904 [1, 2] : vector<1x32x512xf32> to vector<1xf32>
    %reduce_sum3A_906 = vector.shape_cast %reduce_sum3A_905 : vector<1xf32> to vector<1x1x1xf32>
    %reduce_sum3A_907 = vector.extract %reduce_sum3A_906[0, 0, 0] : f32 from vector<1x1x1xf32>
    %add3A_908 = arith.addf %add3A_879, %reduce_sum3A_907 : f32
    %sub3A_909 = arith.constant 1.500000e+04 : f32
    %sub3A_910 = arith.subf %sub3A_909, %add3A_890 : f32
    %mul3A_911 = arith.mulf %sub3A_910, %bitcast_convert_type3A_790 : f32
    %add3A_912 = arith.addf %add3A_899, %mul3A_911 : f32
    %sub3A_913 = arith.subf %add3A_908, %add3A_912 : f32
    %mul3A_914 = arith.constant 2.22222225E-5 : f32
    %mul3A_915 = arith.mulf %sub3A_913, %mul3A_914 : f32
    %swap3A = arith.constant 0 : index
    %swap3A_916 = arith.constant 0 : index
    %swap3A_917 = memref.load %arg2[%swap3A, %swap3A_916] : memref<1x1xf32, #tpu.memory_space<smem>>
    memref.store %mul3A_915, %arg2[%swap3A, %swap3A_916] : memref<1x1xf32, #tpu.memory_space<smem>>
    return
  }
}

</mosaic_0001>

<sc_bundles>
// kernel: kernel.5.cloned.1.call-start
scs
__scs_entry_jumppad:
0x0: {  	(pc) =	sbr.rel $0x88, $3  }
0x1: {  	(tag) =	ssettag $0x0;
	lr =	simm.s32 $0x1  }
0x2: {  	[smem:$0x3F9D] =	sst lr;
	_ =	strace $0xD0000000  }
0x3: {  	_ = 	snop  }
0x4: {  	_ = 	snop  }
0x5: {  	_ = 	snop  }
0x6: {  	_ = 	snop  }
0x7: {  	_ = 	snop  }
__scs_overlays_trampoline_lowered:
0x8: {  	[smem:$0x3FAC] =	sst s0  }
0x9: {  	[smem:$0x3FAD] =	sst s1  }
0xa: {  	[smem:$0x3FAE] =	sst s2  }
0xb: {  	[smem:$0x3FAF] =	sst s3  }
0xc: {  	[smem:$0x3FB0] =	sst s4  }
0xd: {  	[smem:$0x3FB1] =	sst s5  }
0xe: {  	[smem:$0x3FB2] =	sst s6  }
0xf: {  	[smem:$0x3FB3] =	sst s7  }
0x10: {  	[smem:$0x3FB4] =	sst s8  }
0x11: {  	[smem:$0x3FB5] =	sst s9;
	s0 =	simm.s32 @!p0 $0x0  }
0x12: {  	s1 =	sld [smem:$0x3F9B];
	s0 =	simm.s32 @p0 $0x1  }
0x13: {  	[smem:$0x3FB6] =	sst s0;
	s0 =	simm.s32 @!p1 $0x0  }
0x14: {  	s2 =	sld [smem:$0x3F9A];
	s0 =	simm.s32 @p1 $0x1  }
0x15: {  	[smem:$0x3FB7] =	sst s0;
	s0 =	simm.s32 @!p2 $0x0  }
0x16: {  	s3 =	sld [smem:$0x3FDB];
	s0 =	simm.s32 @p2 $0x1  }
0x17: {  	s4 =	simm.s32 $0x1BF5;
	[smem:$0x3FB9] =	sst s0  }
0x18: {  	s0 =	sld [smem:$0x3F9C];
	_ =	swait.ge [sflag:s4], $0x0  }
0x19: {  	s7 =	sld [smem:$0x3F9D]  }
0x1a: {  	s8 =	sadd.s32 $0xFFFFE003, lr  }
0x1b: {  	s9 =	sadd.s32 $0xFFFFFEF7, lr;
	s5 =	simm.s32 $0xFFFFFFFF;
	p2 =	slt.u32 s8, $0xFFFFF086  }
0x1c: {  	p1 =	slt.u32 s9, $0xF7A;
	s5 =	simm.s32 @!p2 $0x0  }
0x1d: {  	s5 =	simm.s32 @p1 $0x1;
	p0 =	seq.s32 s7, s2  }
0x1e: {  	s7 =	smul.u32 @!p0 $0xF7A, s2;
	p2 =	seq.s32 @!p0 s5, $0x0  }
0x1f: {  	s9 =	smul.u32 $0xF7A, s1;
	s8 =	simm.s32 @!p0 $0x1BF5;
	p2 =	por !p2, p0  }
0x20: {  	[sflag:s8] =	ssyncset.s32 @!p0 $0xFFFFF086;
	s6 =	sadd.s32 @!p0 s3, s7;
	s7 =	simm.s32 @!p0 $0x108  }
0x21: {  	s3 =	sadd.s32 s3, s9;
	s6 =	sadd.s32 @!p0 $0x88, s6;
	s7 =	simm.s32 @p2 $0x1082  }
0x22: {  	[simem:s7], [sflag:s8] =	dma.local @!p0 [hbm:s6], $0xF7A  }
0x23: {  	s9 =	sor.u32 $0xD0000000, s2;
	s6 =	simm.s32 $0x108;
	_ =	swait.ge @!p0 [sflag:s8], $0x0  }
0x24: {  	s3 =	sadd.s32 $0x88, s3;
	s6 =	simm.s32 @!p1 $0x1082;
	[sflag:s4] =	ssyncset.s32 $0xFFFFF086  }
0x25: {  	[simem:s6], [sflag:s4] =	dma.local [hbm:s3], $0xF7A  }
0x26: {  	[smem:$0x3F9D] =	sst s1;
	(tag) =	ssettag s2;
	_ =	strace s9  }
0x27: {  	s1 =	sld [smem:$0x3FAD]  }
0x28: {  	s2 =	sld [smem:$0x3FAE]  }
0x29: {  	s4 =	sld [smem:$0x3FB0]  }
0x2a: {  	p0 =	seq.s32 s5, $0x0;
	s5 =	sld [smem:$0x3FB1]  }
0x2b: {  	s6 =	sld [smem:$0x3FB2]  }
0x2c: {  	s7 =	sld [smem:$0x3FB3]  }
0x2d: {  	s3 =	simm.s32 $0x108;
	s8 =	sld [smem:$0x3FB4]  }
0x2e: {  	s3 =	simm.s32 @!p0 $0x1082;
	s9 =	sld [smem:$0x3FB5]  }
0x2f: {  	lr =	sadd.s32 s0, s3;
	s0 =	sld [smem:$0x3FAC]  }
0x30: {  	s3 =	sld [smem:$0x3FAF]  }
0x31: {  	[smem:$0x3FB8] =	sst s10  }
0x32: {  	s10 =	sld [smem:$0x3FB6];
	_ =	sdelay $0x3  }
0x33: {  	p0 =	seq.s32 s10, $0x1;
	s10 =	sld [smem:$0x3FB8];
	_ =	sdelay $0x3  }
0x34: {  	[smem:$0x3FB8] =	sst s10  }
0x35: {  	s10 =	sld [smem:$0x3FB7];
	_ =	sdelay $0x3  }
0x36: {  	p1 =	seq.s32 s10, $0x1;
	s10 =	sld [smem:$0x3FB8];
	_ =	sdelay $0x3  }
0x37: {  	[smem:$0x3FB8] =	sst s10  }
0x38: {  	s10 =	sld [smem:$0x3FB9]  }
0x39: {  	_ = 	snop;
	(pc) =	sbr.ind lr, $3  }
0x3a: {  	_ = 	snop  }
0x3b: {  	_ = 	snop  }
0x3c: {  	p2 =	seq.s32 s10, $0x1;
	s10 =	sld [smem:$0x3FB8]  }
0x3d: {  	_ =	shalt  }
0x3e: {  	_ =	shalt  }
0x3f: {  	_ =	shalt  }
0x40: {  	_ =	shalt  }
0x41: {  	_ =	shalt  }
0x42: {  	_ =	shalt  }
0x43: {  	_ =	shalt  }
0x44: {  	_ =	shalt  }
0x45: {  	_ =	shalt  }
0x46: {  	_ =	shalt  }
0x47: {  	_ =	shalt  }
0x48: {  	_ =	shalt  }
0x49: {  	_ =	shalt  }
0x4a: {  	_ =	shalt  }
0x4b: {  	_ =	shalt  }
0x4c: {  	_ =	shalt  }
0x4d: {  	_ =	shalt  }
0x4e: {  	_ =	shalt  }
0x4f: {  	_ =	shalt  }
0x50: {  	_ =	shalt  }
0x51: {  	_ =	shalt  }
0x52: {  	_ =	shalt  }
0x53: {  	_ =	shalt  }
0x54: {  	_ =	shalt  }
0x55: {  	_ =	shalt  }
0x56: {  	_ =	shalt  }
0x57: {  	_ =	shalt  }
0x58: {  	_ =	shalt  }
0x59: {  	_ =	shalt  }
0x5a: {  	_ =	shalt  }
0x5b: {  	_ =	shalt  }
0x5c: {  	_ =	shalt  }
0x5d: {  	_ =	shalt  }
0x5e: {  	_ =	shalt  }
0x5f: {  	_ =	shalt  }
0x60: {  	_ =	shalt  }
0x61: {  	_ =	shalt  }
0x62: {  	_ =	shalt  }
0x63: {  	_ =	shalt  }
0x64: {  	_ =	shalt  }
0x65: {  	_ =	shalt  }
0x66: {  	_ =	shalt  }
0x67: {  	_ =	shalt  }
0x68: {  	_ =	shalt  }
0x69: {  	_ =	shalt  }
0x6a: {  	_ =	shalt  }
0x6b: {  	_ =	shalt  }
0x6c: {  	_ =	shalt  }
0x6d: {  	_ =	shalt  }
0x6e: {  	_ =	shalt  }
0x6f: {  	_ =	shalt  }
0x70: {  	_ =	shalt  }
0x71: {  	_ =	shalt  }
0x72: {  	_ =	shalt  }
0x73: {  	_ =	shalt  }
0x74: {  	_ =	shalt  }
0x75: {  	_ =	shalt  }
0x76: {  	_ =	shalt  }
0x77: {  	_ =	shalt  }
0x78: {  	_ =	shalt  }
0x79: {  	_ =	shalt  }
0x7a: {  	_ =	shalt  }
0x7b: {  	_ =	shalt  }
0x7c: {  	_ =	shalt  }
0x7d: {  	_ =	shalt  }
0x7e: {  	_ =	shalt  }
0x7f: {  	_ =	shalt  }
0x80: {  	_ =	shalt  }
0x81: {  	_ =	shalt  }
0x82: {  	_ =	shalt  }
0x83: {  	_ =	shalt  }
0x84: {  	_ =	shalt  }
0x85: {  	_ =	shalt  }
0x86: {  	_ =	shalt  }
0x87: {  	_ =	shalt  }
.Lfunc_end0:
.L_simem_size_0:
called_computation_lowered:
.L_overlay_start_0:
0x88: {  	s2 =	sld [smem:$0x3FD9]  }
0x89: {  	s3 =	sld [smem:$0x3FFE];
	_ =	sdelay $0x1  }
0x8a: {  	s1 =	srdreg.scid  }
0x8b: {  	s0 =	sand.u32 $0x1, s1  }
0x8c: {  	s16 =	sshll.u32 s0, $0xA;
	s2 =	sadd.s32 s3, s2  }
0x8d: {  	s2 =	sadd.s32 s2, s16  }
0x8e: {  	[smem:$0x3FC4] =	sst s2  }
0x8f: {  	_ = 	snop  }
0x90: {  	(tm) =	ssettm $0x1  }
0x91: {  	s17 =	sld [smem:$0x3FFB];
	_ =	sdelay $0x3  }
0x92: {  	_ =	strace s17  }
0x93: {  	s2 =	sld [smem:$0x3FFC];
	_ =	sdelay $0x3  }
0x94: {  	_ =	strace s2  }
0x95: {  	s2 =	sld [smem:$0x3FFD];
	_ =	sdelay $0x3  }
0x96: {  	_ =	strace s2  }
0x97: {  	_ =	strace $0x8FFFFFFF  }
0x98: {  	s18 =	sld [smem:$0x3FDB];
	_ =	sdelay $0x1  }
0x99: {  	s19 =	simm.s32 $_scs_section_size  }
0x9a: {  	s4 =	simm.s32 $_size__tile_overlayer_lowered;
	s5 =	simm.s32 $_tile_overlayer_lowered  }
0x9b: {  	s22 =	simm.s32 $0x1BFF;
	s21 =	sshll.u32 s5, $0x1;
	s2 =	sadd.s32 s19, s18  }
0x9c: {  	s6 =	simm.s32 $0x0;
	s20 =	sshll.u32 s4, $0x1;
	s4 =	sadd.s32 s21, s2  }
0x9d: {  	[timem:s6], [sflag:s22] =	dma.local [hbm:s4], s20  }
0x9e: {  	_ =	swait.ge [sflag:s22], s20  }
0x9f: {  	s3 =	ssub.s32 $0x0, s20;
	[sflag:s22] =	ssyncset.done $0x0  }
0xa0: {  	[sflag:s22] =	ssyncadd.s32 s3;
	_ =	sdelay $0x1  }
0xa1: {  	s23 =	simm.s32 $0x1B8B  }
0xa2: {  	_ =	swait.ge [sflag:s23], $0x1  }
0xa3: {  	[sflag:s23] =	ssyncset.done $0x0  }
0xa4: {  	s25 =	simm.s32 $0x1B8E;
	s24 =	sld [smem:$0x3FFE];
	[sflag:s23] =	ssyncadd.s32 $0xFFFFFFFF  }
0xa5: {  	s26 =	simm.s32 $execute0_lowered;
	[smem:$0x3FD2] =	sst s25  }
0xa6: {  	s4 =	sshll.u32 s26, $0x1;
	_ =	strace $0x80000046;
	[dreg:$0x1] =	wrdreg $0xFFFFFFFF  }
0xa7: {  	s28 =	simm.s32 $_size_execute0_lowered;
	s2 =	sadd.s32 s2, s4;
	[dreg:$0x0] =	wrdreg $0x0  }
0xa8: {  	s4 =	sshll.u32 s28, $0x1;
	[dreg:$0x2] =	wrdreg s2  }
0xa9: {  	[dreg:$0x3] =	wrdreg s4  }
0xaa: {  	[dreg:$0x4] =	wrdreg $0xC0  }
0xab: {  	_ =	task [dreg:s6], $0x5FFFF  }
0xac: {  	[dreg:$0x1] =	wrdreg $0xFFFFFFFF  }
0xad: {  	[dreg:$0x0] =	wrdreg $0x60  }
0xae: {  	[dreg:$0x2] =	wrdreg s24  }
0xaf: {  	[dreg:$0x3] =	wrdreg $0x78000  }
0xb0: {  	[dreg:$0x4] =	wrdreg $0x9  }
0xb1: {  	_ =	task.clear_ibuf [dreg:s6], $0x5FFFF;
	_ =	strace $0x90000046  }
0xb2: {  	s29 =	simm.s32 $0x9;
	_ =	strace $0x80000048  }
0xb3: {  	_ =	swait.ge [sflag:s29], $0x1  }
0xb4: {  	[sflag:s29] =	ssyncadd.s32 $0xFFFFFFFF  }
0xb5: {  	_ =	strace $0x90000048  }
0xb6: {  	_ =	sfence  }
0xb7: {  	s30 =	sld [smem:$0x0];
	_ =	sdelay $0x2  }
0xb8: {  	s31 =	sshll.u32 s1, $0xD;
	s1 =	sshrl.u32 s1, $0x2  }
0xb9: {  	s3 =	sand.u32 $0x4000, s31;
	s1 =	sadd.s32 s1, s30  }
0xba: {  	s0 =	sor.u32 s3, s0;
	s1 =	sshll.u32 s1, $0x11  }
0xbb: {  	s0 =	sor.u32 s1, s0  }
0xbc: {  	s0 =	sadd.s32 $0x8F2B, s0  }
0xbd: {  	[sflag:s0] =	ssyncadd.remote.s32 $0x1  }
0xbe: {  	_ =	sfence.sel $0xFFFF  }
0xbf: {  	[dreg:$0x0] =	wrdreg $0xFFFFFFFF;
	(pc) =	sbr.abs _section_cstart, $3  }
0xc0: {  	[dreg:$0x1] =	wrdreg $0xFFFFFFFF  }
0xc1: {  	_ =	task.clear_ibuf [dreg:s6], $0x2FFFF;
	_ =	strace $0x9FFFFFFF  }
0xc2: {  	(tm) =	ssettm $0x7FFFFFFF  }
0xc3: {  	_ =	shalt  }
tec
execute0_lowered:
.L_overlay_start_1:
0x0: {  	(tag) =	ssettag $0x1  }
0x1: {  	s0 =	rddreg [dreg:$0x0]  }
0x2: {  	s2 =	rddreg [dreg:$0x1]  }
0x3: {  	s1 =	stileid.u32;
	s3 =	srdreg.scid;
	s13 =	simm.s32 $0x600  }
0x4: {  	s14 =	simm.s32 $0xC00;
	s15 =	simm.s32 $0x1200;
	s16 =	simm.s32 $0x1  }
0x5: {  	s17 =	simm.s32 $0x1800;
	s18 =	simm.s32 $0x4800;
	s19 =	simm.s32 $0x2400  }
0x6: {  	s20 =	simm.s32 $0x5400;
	s21 =	simm.s32 $0x2;
	s22 =	simm.s32 $0x3000  }
0x7: {  	s23 =	simm.s32 $0x6000;
	s24 =	simm.s32 $0x3C00;
	s25 =	simm.s32 $0x6C00  }
0x8: {  	s26 =	simm.s32 $0x3;
	s28 =	simm.s32 $0x4;
	s29 =	simm.s32 $0x0  }
0x9: {  	s5 =	sand.u32 $0x1, s3;
	s4 =	sshll.u32 s1, $0x1;
	s3 =	simm.s32 $0x0  }
0xa: {  	s6 =	smul.u32 $0x18000, s1;
	s31 =	sshll.u32 s1, $0x6;
	s4 =	sor.u32 s5, s4  }
0xb: {  	[smem:$0x7FF] =	sst s3;
	s5 =	ssub.s32 $0x2, s5;
	s7 =	smul.u32 $0x600, s4  }
0xc: {  	_ =	strace $0x80000047;
	s8 =	sshrl.u32 s6, $0x3;
	s9 =	smul.u32 $0x180, s4  }
0xd: {  	s4 =	sadd.s32 $0x32000, s0;
	s30 =	sshrl.u32 s5, $0x1;
	s12 =	sadd.s32 s6, s2  }
0xe: {  	s6 =	sor.u32 $0x1C05, s31;
	s8 =	sadd.s32 s8, s0;
	s11 =	ssub.s32 s5, s30  }
0xf: {  	s10 =	sadd.s32 s7, s0;
	s0 =	sadd.s32 s9, s0;
	s5 =	sadd.s32 $0x2000, s8  }
0x10: {  	s7 =	sadd.s32 $0x38200, s0;
	s8 =	sadd.s32 $0x47200, s0;
	s9 =	sadd.s32 $0x3B200, s10  }
0x11: {  	s10 =	smax.u32 s11, $0x1;
	s11 =	sshrl.u32 s12, $0x3;
	s12 =	simm.s32 $0x5  }
.LBB2_1:
0x12: {  	[spmem:s11], [sflag:s6] =	dma.local [hbm:s5], $0x3000  }
0x13: {  	_ =	swait.ge [sflag:s12], $0x3000  }
0x14: {  	[sflag:s12] =	ssyncset.done $0x0  }
0x15: {  	[sflag:s12] =	ssyncadd.s32 $0xFFFFD000  }
0x16: {  	[tilespmem:s3], [sflag:$0x5] =	stream.linear.gather [hbm4b:s7+s3], $0xC00, $0x38;
	[tilespmem:$0x1F800] =	vst v63  }
0x17: {  	_ =	swait.ge [sflag:s12], $0xC00  }
0x18: {  	[sflag:s12] =	ssyncset.done $0x0  }
0x19: {  	[sflag:s12] =	ssyncadd.s32 $0xFFFFF400  }
0x1a: {  	[tilespmem:s14], [sflag:$0x1] =	stream.indirect.gather [hbm4b:s4+s13], $0x1, s3, s13, $0xb8;
	[tilespmem:$0x1F800] =	vst v63  }
0x1b: {  	_ = 	snop  }
0x1c: {  	[tilespmem:s15], [sflag:$0x2] =	stream.indirect.gather [hbm4b:s4+s13], $0x1, s13, s13, $0xb8;
	[tilespmem:$0x1F800] =	vst v63  }
0x1d: {  	[bflag:$0x0] =	sbarrier.arrive $0xFFFF  }
0x1e: {  	_ =	swait.ge [sflag:s16], $0x600  }
0x1f: {  	[sflag:s16] =	ssyncset.done $0x0  }
0x20: {  	s30 =	simm.s32 $0x0;
	[sflag:s16] =	ssyncadd.s32 $0xFFFFFA00  }
0x21: {  	v2 =	vld [tilespmem:s30+$0x1000]  }
0x22: {  	v0 =	vld [tilespmem:s30+$0xC00]  }
0x23: {  	v1 =	vld [tilespmem:s30+$0xE00];
	_ =	sdelay $0x2  }
0x24: {  	[tilespmem:s30+$0x1C00] =	vst v2;
	v3 =	vadd.s32 $0x90000, v2  }
0x25: {  	v4 =	vadd.s32 $0x30000, v0;
	[tilespmem:s30+$0x2E00] =	vst v3  }
0x26: {  	v5 =	vadd.s32 $0x60000, v1;
	[tilespmem:s30+$0x1E00] =	vst v4  }
0x27: {  	v3 =	vadd.s32 $0x60000, v0;
	[tilespmem:s30+$0x2600] =	vst v5  }
0x28: {  	v4 =	vadd.s32 $0x90000, v0;
	[tilespmem:s30+$0x2400] =	vst v3  }
0x29: {  	v3 =	vadd.s32 $0x30000, v1;
	[tilespmem:s30+$0x2A00] =	vst v4  }
0x2a: {  	s31 =	simm.s32 $0x10;
	s0 =	simm.s32 $0x80;
	v4 =	vadd.s32 $0x90000, v1;
	[tilespmem:s30+$0x2000] =	vst v3;
	v3 =	vadd.s32 $0x30000, v2;
	v2 =	vadd.s32 $0x60000, v2  }
.LBB2_2:
0x2b: {  	p0 =	sne.s32 s0, $0x7C0;
	v5 =	vld [tilespmem:s31+$0x1000];
	[tilespmem:s30+$0x2C00] =	vst v4  }
0x2c: {  	v4 =	vld [tilespmem:s31+$0xC00];
	[tilespmem:s30+$0x2200] =	vst v3  }
0x2d: {  	v6 =	vld [tilespmem:s31+$0xE00];
	[tilespmem:s30+$0x2800] =	vst v2  }
0x2e: {  	[tilespmem:s30+$0x1800] =	vst v0  }
0x2f: {  	[tilespmem:s30+$0x1A00] =	vst v1;
	s30 =	smov.u32 s31  }
0x30: {  	[tilespmem:s30+$0x1C00] =	vst v5;
	v3 =	vadd.s32 $0x30000, v5;
	v2 =	vadd.s32 $0x60000, v5;
	v8 =	vadd.s32 $0x90000, v5  }
0x31: {  	v10 =	vadd.s32 $0x30000, v4;
	v5 =	vadd.s32 $0x60000, v4;
	v7 =	vadd.s32 $0x90000, v4;
	[tilespmem:s30+$0x2E00] =	vst v8;
	v0 =	vmovc v4  }
.Ltmp0:
0x32: {  	[tilespmem:s30+$0x1E00] =	vst v10;
	v8 =	vadd.s32 $0x30000, v6;
	v9 =	vadd.s32 $0x60000, v6;
	v4 =	vadd.s32 $0x90000, v6;
	v1 =	vmovc v6;
	(pc) =	sbr.rel @p0 .LBB2_2-.Ltmp0, $4  }
0x33: {  	[tilespmem:s30+$0x2400] =	vst v5  }
0x34: {  	[tilespmem:s30+$0x2A00] =	vst v7  }
0x35: {  	[tilespmem:s30+$0x2000] =	vst v8  }
0x36: {  	s31 =	sshra.s32 s0, $0x2;
	s0 =	sadd.s32 $0x40, s0;
	[tilespmem:s30+$0x2600] =	vst v9  }
0x37: {  	v5 =	vld [tilespmem:s31+$0x1000];
	[tilespmem:s30+$0x2C00] =	vst v4  }
0x38: {  	v4 =	vld [tilespmem:s31+$0xC00];
	[tilespmem:s30+$0x2200] =	vst v3  }
0x39: {  	v3 =	vld [tilespmem:s31+$0xE00];
	[tilespmem:s30+$0x2800] =	vst v2  }
0x3a: {  	[tilespmem:s30+$0x1800] =	vst v0  }
0x3b: {  	[tilespmem:s30+$0x1A00] =	vst v1  }
0x3c: {  	[tilespmem:s31+$0x1C00] =	vst v5;
	v0 =	vadd.s32 $0x90000, v5  }
0x3d: {  	[tilespmem:s31+$0x2E00] =	vst v0  }
0x3e: {  	v1 =	vadd.s32 $0x30000, v4;
	[tilespmem:s31+$0x1800] =	vst v4  }
0x3f: {  	v0 =	vadd.s32 $0x60000, v4;
	[tilespmem:s31+$0x1E00] =	vst v1  }
0x40: {  	[tilespmem:s31+$0x2400] =	vst v0  }
0x41: {  	v1 =	vadd.s32 $0x90000, v4;
	[tilespmem:s31+$0x1A00] =	vst v3  }
0x42: {  	v0 =	vadd.s32 $0x30000, v3;
	[tilespmem:s31+$0x2A00] =	vst v1  }
0x43: {  	v1 =	vadd.s32 $0x60000, v3;
	[tilespmem:s31+$0x2000] =	vst v0  }
0x44: {  	v0 =	vadd.s32 $0x90000, v3;
	[tilespmem:s31+$0x2600] =	vst v1  }
0x45: {  	v1 =	vadd.s32 $0x30000, v5;
	[tilespmem:s31+$0x2C00] =	vst v0  }
0x46: {  	v0 =	vadd.s32 $0x60000, v5;
	[tilespmem:s31+$0x2200] =	vst v1  }
0x47: {  	[tilespmem:s31+$0x2800] =	vst v0  }
0x48: {  	[tilespmem:s18], [sflag:$0x3] =	stream.indirect.gather [spmem:s2], $0x1, s17, s14, $0xb8;
	[tilespmem:$0x1F800] =	vst v63  }
0x49: {  	_ = 	snop  }
0x4a: {  	[tilespmem:s20], [sflag:$0x3] =	stream.indirect.gather [spmem:s2], $0x1, s19, s14, $0xb8;
	[tilespmem:$0x1F800] =	vst v63  }
0x4b: {  	_ =	swait.ge [sflag:s21], $0x600  }
0x4c: {  	[sflag:s21] =	ssyncset.done $0x0  }
0x4d: {  	s30 =	simm.s32 $0x0;
	[sflag:s21] =	ssyncadd.s32 $0xFFFFFA00  }
0x4e: {  	v2 =	vld [tilespmem:s30+$0x1600]  }
0x4f: {  	v1 =	vld [tilespmem:s30+$0x1200];
	_ =	sdelay $0x1  }
0x50: {  	v3 =	vld [tilespmem:s30+$0x1400];
	_ =	sdelay $0x1  }
0x51: {  	v0 =	vadd.s32 $0x120000, v2  }
0x52: {  	v4 =	vadd.s32 $0x90000, v1;
	[tilespmem:s30+$0x4600] =	vst v0  }
0x53: {  	v5 =	vadd.s32 $0x120000, v1;
	[tilespmem:s30+$0x3000] =	vst v4  }
0x54: {  	v6 =	vadd.s32 $0x90000, v3;
	[tilespmem:s30+$0x4200] =	vst v5  }
0x55: {  	v0 =	vadd.s32 $0xC0000, v1;
	v4 =	vadd.s32 $0xF0000, v1;
	[tilespmem:s30+$0x3200] =	vst v6  }
0x56: {  	v1 =	vadd.s32 $0xC0000, v2;
	v5 =	vadd.s32 $0xF0000, v3;
	[tilespmem:s30+$0x3600] =	vst v0;
	v0 =	vadd.s32 $0x90000, v2  }
0x57: {  	s0 =	simm.s32 $0x80;
	s31 =	simm.s32 $0x10;
	[tilespmem:s30+$0x3C00] =	vst v4;
	v4 =	vadd.s32 $0xC0000, v3;
	v3 =	vadd.s32 $0x120000, v3;
	v2 =	vadd.s32 $0xF0000, v2  }
.LBB2_4:
0x58: {  	p0 =	sne.s32 s0, $0x7C0;
	v6 =	vld [tilespmem:s31+$0x1600];
	[tilespmem:s30+$0x3800] =	vst v4  }
0x59: {  	v4 =	vld [tilespmem:s31+$0x1200];
	[tilespmem:s30+$0x3E00] =	vst v5  }
0x5a: {  	v7 =	vld [tilespmem:s31+$0x1400];
	[tilespmem:s30+$0x4400] =	vst v3  }
0x5b: {  	[tilespmem:s30+$0x3400] =	vst v0  }
0x5c: {  	[tilespmem:s30+$0x3A00] =	vst v1  }
0x5d: {  	v0 =	vadd.s32 $0x90000, v6;
	v1 =	vadd.s32 $0xC0000, v6;
	v3 =	vadd.s32 $0x120000, v6;
	[tilespmem:s30+$0x4000] =	vst v2;
	s30 =	smov.u32 s31  }
0x5e: {  	v2 =	vadd.s32 $0x90000, v4;
	v5 =	vadd.s32 $0xC0000, v4;
	v8 =	vadd.s32 $0xF0000, v4;
	[tilespmem:s30+$0x4600] =	vst v3  }
.Ltmp1:
0x5f: {  	v9 =	vadd.s32 $0x120000, v4;
	[tilespmem:s30+$0x3000] =	vst v2;
	v10 =	vadd.s32 $0x90000, v7;
	v4 =	vadd.s32 $0xC0000, v7;
	(pc) =	sbr.rel @p0 .LBB2_4-.Ltmp1, $4  }
0x60: {  	v3 =	vadd.s32 $0x120000, v7;
	v2 =	vadd.s32 $0xF0000, v6;
	[tilespmem:s30+$0x3600] =	vst v5;
	v5 =	vadd.s32 $0xF0000, v7  }
0x61: {  	[tilespmem:s30+$0x3C00] =	vst v8  }
0x62: {  	[tilespmem:s30+$0x4200] =	vst v9  }
0x63: {  	s31 =	sshra.s32 s0, $0x2;
	s0 =	sadd.s32 $0x40, s0;
	[tilespmem:s30+$0x3200] =	vst v10  }
0x64: {  	v6 =	vld [tilespmem:s31+$0x1600];
	[tilespmem:s30+$0x3800] =	vst v4  }
0x65: {  	v4 =	vld [tilespmem:s31+$0x1200];
	[tilespmem:s30+$0x3E00] =	vst v5  }
0x66: {  	v5 =	vld [tilespmem:s31+$0x1400];
	[tilespmem:s30+$0x4400] =	vst v3  }
0x67: {  	[tilespmem:s30+$0x3400] =	vst v0  }
0x68: {  	[tilespmem:s30+$0x3A00] =	vst v1  }
0x69: {  	[tilespmem:s30+$0x4000] =	vst v2;
	v52 =	vadd.s32 $0x120000, v6  }
0x6a: {  	v61 =	vadd.s32 $0x90000, v6;
	[tilespmem:s31+$0x4600] =	vst v52  }
0x6b: {  	v62 =	vadd.s32 $0xC0000, v6;
	[tilespmem:s31+$0x3400] =	vst v61  }
0x6c: {  	v63 =	vadd.s32 $0xF0000, v6;
	[tilespmem:s31+$0x3A00] =	vst v62  }
0x6d: {  	v53 =	vadd.s32 $0x90000, v4;
	[tilespmem:s31+$0x4000] =	vst v63  }
0x6e: {  	v54 =	vadd.s32 $0xC0000, v4;
	[tilespmem:s31+$0x3000] =	vst v53  }
0x6f: {  	v55 =	vadd.s32 $0xF0000, v4;
	[tilespmem:s31+$0x3600] =	vst v54  }
0x70: {  	v56 =	vadd.s32 $0x120000, v4;
	[tilespmem:s31+$0x3C00] =	vst v55  }
0x71: {  	v57 =	vadd.s32 $0x90000, v5;
	[tilespmem:s31+$0x4200] =	vst v56  }
0x72: {  	v58 =	vadd.s32 $0xC0000, v5;
	[tilespmem:s31+$0x3200] =	vst v57  }
0x73: {  	v59 =	vadd.s32 $0xF0000, v5;
	[tilespmem:s31+$0x3800] =	vst v58  }
0x74: {  	v60 =	vadd.s32 $0x120000, v5;
	[tilespmem:s31+$0x3E00] =	vst v59  }
0x75: {  	[tilespmem:s31+$0x4400] =	vst v60  }
0x76: {  	[tilespmem:s23], [sflag:$0x3] =	stream.indirect.gather [spmem:s2], $0x1, s22, s14, $0xb8;
	[tilespmem:$0x1F800] =	vst v63  }
0x77: {  	_ = 	snop  }
0x78: {  	[tilespmem:s25], [sflag:$0x3] =	stream.indirect.gather [spmem:s2], $0x1, s24, s14, $0xb8;
	[tilespmem:$0x1F800] =	vst v63  }
0x79: {  	_ = 	snop  }
0x7a: {  	[hbm4b:s8+s3] =	stream.linear.scatter [tilespmem:s14], [sflag:$0x4], $0xC00, $0x38;
	[tilespmem:$0x1F800] =	vst v63  }
0x7b: {  	_ =	swait.ge [sflag:s26], $0xC00  }
0x7c: {  	[sflag:s26] =	ssyncset.done $0x0  }
0x7d: {  	[sflag:s26] =	ssyncadd.s32 $0xFFFFF400  }
0x7e: {  	_ =	swait.ge [sflag:s26], $0xC00  }
0x7f: {  	[sflag:s26] =	ssyncset.done $0x0  }
0x80: {  	[sflag:s26] =	ssyncadd.s32 $0xFFFFF400  }
0x81: {  	_ =	swait.ge [sflag:s26], $0xC00  }
0x82: {  	[sflag:s26] =	ssyncset.done $0x0  }
0x83: {  	[sflag:s26] =	ssyncadd.s32 $0xFFFFF400  }
0x84: {  	_ =	swait.ge [sflag:s26], $0xC00  }
0x85: {  	[sflag:s26] =	ssyncset.done $0x0  }
0x86: {  	s29 =	sadd.s32 $0x1, s29;
	[sflag:s26] =	ssyncadd.s32 $0xFFFFF400  }
0x87: {  	[hbm4b:s9+s3] =	stream.linear.scatter [tilespmem:s18], [sflag:$0x5], $0x3000, $0x38;
	[tilespmem:$0x1F800] =	vst v63  }
0x88: {  	p0 =	sne.s32 s29, s10;
	_ =	swait.ge [sflag:s12], $0x3000  }
.Ltmp2:
0x89: {  	[sflag:s12] =	ssyncset.done $0x0;
	(pc) =	sbr.rel @p0 .LBB2_1-.Ltmp2, $4  }
0x8a: {  	[sflag:s12] =	ssyncadd.s32 $0xFFFFD000  }
0x8b: {  	_ =	swait.ge [sflag:s28], $0xC00  }
0x8c: {  	[sflag:s28] =	ssyncset.done $0x0  }
0x8d: {  	[sflag:s28] =	ssyncadd.s32 $0xFFFFF400  }
0x8e: {  	_ =	sfence.sel $0x180000  }
0x8f: {  	[bflag:$0x0] =	sbarrier.arrive $0xFFFF  }
0x90: {  	_ =	strace $0x90000047  }
0x91: {  	[bflag:$0x2] =	sbarrier.arrive $0xFFFF  }
0x92: {  	p0 =	sne.s32 s1, $0x0;
	s0 =	rddreg [dreg:$0x2]  }
0x93: {  	s0 =	sadd.s32 @!p0 $0x100000, s0  }
0x94: {  	[sflag:s0] =	ssyncadd.tile.s32 @!p0 $0x1;
	_ =	shalt  }
.Lfunc_end2:
_tile_overlayer_lowered:
.L_overlay_start_2:
0x95: {  	(tag) =	ssettag $0x2  }
0x96: {  	s0 =	rddreg [dreg:$0x0];
	s2 =	stileid.u32  }
0x97: {  	s1 =	rddreg [dreg:$0x1];
	p0 =	sne.s32 s2, $0x0  }
0x98: {  	s3 =	rddreg [dreg:$0x2];
	[bflag:$0x3] =	sbarrier.arrive $0xFFFF;
	s2 =	simm.s32 @!p0 $0x1C05  }
0x99: {  	[timem:s3], [sflag:s2] =	dma.local @!p0 [hbm:s0], s1  }
0x9a: {  	s0 =	simm.s32 @!p0 $0x5  }
0x9b: {  	_ =	swait.ge @!p0 [sflag:s0], s1  }
0x9c: {  	s1 =	ssub.s32 @!p0 $0x0, s1;
	[sflag:s0] =	ssyncset.done @!p0 $0x0  }
0x9d: {  	[sflag:s0] =	ssyncadd.s32 @!p0 s1  }
0x9e: {  	[bflag:$0x3] =	sbarrier.arrive $0xFFFF  }
0x9f: {  	_ =	shalt  }

</sc_bundles>
